<compile_context>
chip_gen: v7x
topology: tpu7x:2x2x1
jax: 0.10.2.dev20260603
libtpu: 0.0.44.dev20260713+nightly
codegen_flags: <defaults>
</compile_context>

<pallas_src>
import functools

import jax
import jax.numpy as jnp
from jax import lax
from jax.experimental import pallas as pl
from jax.experimental.pallas import tpu as pltpu
from jax.experimental.pallas import tpu_sc as plsc

_N = 10000
_D = 128
_E = 320000
_NC = 2
_NS = 16
_NW = _NC * _NS
_CH = 128
_EPAD = 327680
_EPW = _EPAD // _NW
_NCHUNK = _EPW // _CH
_NPAD = 10240
_RPS = _NPAD // _NS
_DEGW = 128

def _mesh():
    return plsc.VectorSubcoreMesh(core_axis_name="c", subcore_axis_name="s")


def _sc_degree(dst, ones_hbm_v, zeros_hbm_v):

    @functools.partial(
        pl.kernel,
        out_type=jax.ShapeDtypeStruct((_NC * _NPAD, _DEGW), jnp.float32),
        mesh=_mesh(),
        scratch_types=[
            pltpu.VMEM((_CH,), jnp.int32),
            pltpu.VMEM((_CH, _DEGW), jnp.float32),
            pltpu.VMEM_SHARED((_NPAD, _DEGW), jnp.float32),
        ],
    )
    def k(dst_hbm, ones_hbm, zeros_hbm, out_hbm, didx, ones_v, acc):
        c = lax.axis_index("c")
        s = lax.axis_index("s")
        wid = s * _NC + c

        pltpu.sync_copy(ones_hbm, ones_v)
        pltpu.sync_copy(zeros_hbm, acc.at[pl.ds(s * _RPS, _RPS)])

        plsc.subcore_barrier()

        @pl.loop(0, _NCHUNK)
        def _(ci):
            pltpu.sync_copy(dst_hbm.at[pl.ds(wid * _EPW + ci * _CH, _CH)], didx)
            pltpu.sync_copy(ones_v, acc.at[didx], add=True)

        plsc.subcore_barrier()

        @pl.loop(0, _RPS, step=_CH)
        def _(r0):
            r = s * _RPS + r0
            pltpu.sync_copy(acc.at[pl.ds(r, _CH)],
                            out_hbm.at[pl.ds(c * _NPAD + r, _CH)])

    return k(dst, ones_hbm_v, zeros_hbm_v)


def _sc_scatter_accum(y, src, dst, zeros_hbm_v):

    @functools.partial(
        pl.kernel,
        out_type=jax.ShapeDtypeStruct((_NC * _NPAD, _D), jnp.float32),
        mesh=_mesh(),
        scratch_types=[
            pltpu.VMEM((_CH,), jnp.int32),
            pltpu.VMEM((_CH,), jnp.int32),
            pltpu.VMEM((_CH,), jnp.int32),
            pltpu.VMEM((_CH,), jnp.int32),
            pltpu.VMEM((_CH, _D), jnp.float32),
            pltpu.VMEM((_CH, _D), jnp.float32),
            pltpu.VMEM_SHARED((_NPAD, _D), jnp.float32),
            pltpu.SemaphoreType.DMA,
            pltpu.SemaphoreType.DMA,
        ],
    )
    def k(y_hbm, src_hbm, dst_hbm, zeros_hbm, out_hbm,
          sidx0, sidx1, didx0, didx1, rows0, rows1, acc, gsem0, gsem1):
        c = lax.axis_index("c")
        s = lax.axis_index("s")
        wid = s * _NC + c

        pltpu.sync_copy(zeros_hbm, acc.at[pl.ds(s * _RPS, _RPS)])

        plsc.subcore_barrier()

        def fire(ci, sidx, rows, gsem):
            pltpu.sync_copy(src_hbm.at[pl.ds(wid * _EPW + ci * _CH, _CH)], sidx)
            pltpu.async_copy(y_hbm.at[sidx], rows, gsem)

        def drain(sidx, rows, gsem):
            pltpu.make_async_copy(y_hbm.at[sidx], rows, gsem).wait()

        def scat(ci, didx, rows):
            pltpu.sync_copy(dst_hbm.at[pl.ds(wid * _EPW + ci * _CH, _CH)], didx)
            pltpu.sync_copy(rows, acc.at[didx], add=True)

        fire(0, sidx0, rows0, gsem0)
        fire(1, sidx1, rows1, gsem1)

        @pl.loop(0, _NCHUNK - 2, step=2)
        def _(ci):
            drain(sidx0, rows0, gsem0)
            scat(ci, didx0, rows0)
            fire(ci + 2, sidx0, rows0, gsem0)
            drain(sidx1, rows1, gsem1)
            scat(ci + 1, didx1, rows1)
            fire(ci + 3, sidx1, rows1, gsem1)

        drain(sidx0, rows0, gsem0)
        scat(_NCHUNK - 2, didx0, rows0)
        drain(sidx1, rows1, gsem1)
        scat(_NCHUNK - 1, didx1, rows1)

        plsc.subcore_barrier()

        @pl.loop(0, _RPS, step=_CH)
        def _(r0):
            r = s * _RPS + r0
            pltpu.sync_copy(acc.at[pl.ds(r, _CH)],
                            out_hbm.at[pl.ds(c * _NPAD + r, _CH)])

    return k(y, src, dst, zeros_hbm_v)


def _dis_expr(degp_ref):
    deg = degp_ref[0:_N, 0:1] + degp_ref[_NPAD:_NPAD + _N, 0:1] + 1.0
    return lax.rsqrt(deg)


def _tc_matmul(x, w):
    def body(x_ref, w_ref, o_ref):
        o_ref[...] = jnp.dot(x_ref[...], w_ref[...],
                             preferred_element_type=jnp.float32)

    return pl.pallas_call(
        body,
        out_shape=jax.ShapeDtypeStruct((x.shape[0], w.shape[1]), jnp.float32),
    )(x, w)


def _tc_scale(degp, xw):
    def body(degp_ref, xw_ref, o_ref):
        o_ref[...] = xw_ref[...] * _dis_expr(degp_ref)

    return pl.pallas_call(
        body,
        out_shape=jax.ShapeDtypeStruct((_N, _D), jnp.float32),
    )(degp, xw)


def _tc_mid(accp, y1, degp, b1, w2):

    def body(acc_ref, y1_ref, degp_ref, b1_ref, w2_ref, o_ref):
        dis = _dis_expr(degp_ref)
        ssum = acc_ref[0:_N, :] + acc_ref[_NPAD:_NPAD + _N, :] + y1_ref[...]
        h = jnp.maximum(ssum * dis + b1_ref[...], 0.0)
        o_ref[...] = jnp.dot(h, w2_ref[...],
                             preferred_element_type=jnp.float32) * dis

    return pl.pallas_call(
        body,
        out_shape=jax.ShapeDtypeStruct((_N, _D), jnp.float32),
    )(accp, y1, degp, b1, w2)


def _tc_out(accp, y2, degp, b2):

    def body(acc_ref, y2_ref, degp_ref, b2_ref, o_ref):
        dis = _dis_expr(degp_ref)
        z = (acc_ref[0:_N, :] + acc_ref[_NPAD:_NPAD + _N, :] + y2_ref[...]) \
            * dis + b2_ref[...]
        m = jnp.max(z, axis=1, keepdims=True)
        e = jnp.exp(z - m)
        o_ref[...] = (z - m) - jnp.log(jnp.sum(e, axis=1, keepdims=True))

    return pl.pallas_call(
        body,
        out_shape=jax.ShapeDtypeStruct((_N, _D), jnp.float32),
    )(accp, y2, degp, b2)


def kernel(feature, edge_index, use_feature, W1, b1, W2, b2):
    x = jnp.where(use_feature != 0, feature,
                  jnp.eye(_N, _D, dtype=feature.dtype))
    ei = edge_index.astype(jnp.int32)
    padw = _EPW - _E // _NW
    srcr = ei[0].reshape(_NW, _E // _NW)
    dstr = ei[1].reshape(_NW, _E // _NW)
    src = jnp.concatenate([srcr, jnp.zeros((_NW, padw), jnp.int32)],
                          axis=1).reshape(-1)
    trash = jnp.broadcast_to(_N + jnp.arange(padw, dtype=jnp.int32),
                             (_NW, padw))
    dst = jnp.concatenate([dstr, trash], axis=1).reshape(-1)
    b1r = b1.reshape(1, _D).astype(jnp.float32)
    b2r = b2.reshape(1, _D).astype(jnp.float32)
    ones_deg = jnp.ones((_CH, _DEGW), jnp.float32)
    zeros_deg = jnp.zeros((_RPS, _DEGW), jnp.float32)
    zeros_acc = jnp.zeros((_RPS, _D), jnp.float32)

    degp = _sc_degree(dst, ones_deg, zeros_deg)
    xw1 = _tc_matmul(x, W1)
    y1 = _tc_scale(degp, xw1)
    acc1 = _sc_scatter_accum(y1, src, dst, zeros_acc)
    y2 = _tc_mid(acc1, y1, degp, b1r, W2)
    acc2 = _sc_scatter_accum(y2, src, dst, zeros_acc)
    return _tc_out(acc2, y2, degp, b2r)

# --- scband reference (transcript-rebuilt; emitter-appended) ---
"""Pipeline reference for scband-gcn-53919019434434 (READ-ONLY COPY).

The authoritative reference and input builder live on the scoring server;
editing this copy changes nothing except your own understanding.
"""

import jax, jax.numpy as jnp
import numpy as np

N_NODES = 10000
N_EDGES = 320000
D_IN = 128
D_HID = 128
D_OUT = 128


def _gcn_conv(x, edge_index, W, b, num_nodes):
    # GCNConv: x' = D^{-1/2} (A + I) D^{-1/2} X W + b
    src = edge_index[0]
    dst = edge_index[1]
    loop = jnp.arange(num_nodes, dtype=src.dtype)
    src = jnp.concatenate([src, loop])
    dst = jnp.concatenate([dst, loop])
    # degree computed on destination nodes (with self loops, unit edge weights)
    deg = jnp.zeros((num_nodes,), dtype=jnp.float32).at[dst].add(1.0)
    deg_inv_sqrt = jnp.where(deg > 0, 1.0 / jnp.sqrt(deg), 0.0)
    norm = deg_inv_sqrt[src] * deg_inv_sqrt[dst]
    xw = x @ W
    msgs = xw[src] * norm[:, None]
    out = jnp.zeros((num_nodes, W.shape[1]), dtype=x.dtype).at[dst].add(msgs)
    return out + b


def setup_inputs(seed: int = 0) -> dict:
    key = jax.random.key(seed)
    k1, k2, k3, k4, k5, k6 = jax.random.split(key, 6)
    feature = jax.random.normal(k1, (N_NODES, D_IN), dtype=jnp.float32)
    edge_index = jax.random.randint(k2, (2, N_EDGES), 0, N_NODES, dtype=jnp.int64)
    # glorot-style init for GCN weights
    s1 = (6.0 / (D_IN + D_HID)) ** 0.5
    s2 = (6.0 / (D_HID + D_OUT)) ** 0.5
    W1 = jax.random.uniform(k3, (D_IN, D_HID), dtype=jnp.float32, minval=-s1, maxval=s1)
    b1 = jnp.zeros((D_HID,), dtype=jnp.float32)
    W2 = jax.random.uniform(k4, (D_HID, D_OUT), dtype=jnp.float32, minval=-s2, maxval=s2)
    b2 = jnp.zeros((D_OUT,), dtype=jnp.float32)
    return {"feature": feature, "edge_index": edge_index, "use_feature": 1,
            "W1": W1, "b1": b1, "W2": W2, "b2": b2}


def reference(feature, edge_index, use_feature, W1, b1, W2, b2):
    num_nodes = feature.shape[0]
    x = jnp.where(use_feature != 0, feature,
                  jnp.eye(num_nodes, feature.shape[1], dtype=feature.dtype))
    # conv_first
    x = _gcn_conv(x, edge_index, W1, b1, num_nodes)
    x = jax.nn.relu(x)
    # dropout=False -> identity; layer_num=2 -> no hidden convs
    # conv_out
    x = _gcn_conv(x, edge_index, W2, b2, num_nodes)
    x = jax.nn.log_softmax(x, axis=1)
    return x

if __name__ == "__main__":
    import jax
    _d = setup_inputs()
    print(jax.jit(kernel)(*tuple(_d.values())))

</pallas_src>

<mosaic_0001>
#map = affine_map<(d0, d1) -> (0, 0)>
#map1 = affine_map<(d0, d1) -> (0)>
module attributes {stable_mosaic.version = 14 : i64} {
  func.func @k(%arg0: i32, %arg1: i32, %arg2: memref<10000x128xf32, #tpu.memory_space<hbm>>, %arg3: memref<327680xi32, #tpu.memory_space<hbm>>, %arg4: memref<327680xi32, #tpu.memory_space<hbm>>, %arg5: memref<640x128xf32, #tpu.memory_space<hbm>>, %arg6: memref<20480x128xf32, #tpu.memory_space<hbm>>, %arg7: memref<128xi32, #tpu.memory_space<vmem>>, %arg8: memref<128xi32, #tpu.memory_space<vmem>>, %arg9: memref<128xi32, #tpu.memory_space<vmem>>, %arg10: memref<128xi32, #tpu.memory_space<vmem>>, %arg11: memref<128x128xf32, #tpu.memory_space<vmem>>, %arg12: memref<128x128xf32, #tpu.memory_space<vmem>>, %arg13: memref<10240x128xf32, #tpu.memory_space<vmem_shared>>, %arg14: memref<!tpu.dma_semaphore, #tpu.memory_space<semaphore_mem>>, %arg15: memref<!tpu.dma_semaphore, #tpu.memory_space<semaphore_mem>>) attributes {dimension_semantics = [#tpu.dimension_semantics<core_parallel>, #tpu.dimension_semantics<subcore_parallel>], iteration_bounds = array<i64: 2, 16>, scalar_prefetch = 0 : i64, scratch_operands = 9 : i64, tpu.core_type = #tpu.core_type<sc_vector_subcore>, window_params = [{transform_indices = #map}, {transform_indices = #map1}, {transform_indices = #map1}, {transform_indices = #map}, {transform_indices = #map}]} {
    %mul3A = arith.constant 2 : i32
    %mul3A_0 = arith.muli %arg1, %mul3A : i32
    %add3A = arith.addi %mul3A_0, %arg0 : i32
    %mul3A_1 = arith.constant 640 : i32
    %mul3A_2 = arith.muli %arg1, %mul3A_1 : i32
    "tpu.region"() ({
      %run_scoped3A = tpu.sem_alloc : memref<!tpu.dma_semaphore, #tpu.memory_space<semaphore_mem>>
      %dma_start3A_39 = arith.constant 0 : i32
      %dma_start3A_40 = tpu.memref_slice %arg13[%mul3A_2, %dma_start3A_39] : memref<10240x128xf32, #tpu.memory_space<vmem_shared>> -> memref<640x128xf32, #tpu.memory_space<vmem_shared>>
      tpu.enqueue_dma source(%arg5 : memref<640x128xf32, #tpu.memory_space<hbm>>) target(%dma_start3A_40 : memref<640x128xf32, #tpu.memory_space<vmem_shared>>) target_semaphore(%run_scoped3A : memref<!tpu.dma_semaphore, #tpu.memory_space<semaphore_mem>>)
      %dma_wait3A_41 = arith.constant 0 : i32
      %dma_wait3A_42 = tpu.memref_slice %arg13[%mul3A_2, %dma_wait3A_41] : memref<10240x128xf32, #tpu.memory_space<vmem_shared>> -> memref<640x128xf32, #tpu.memory_space<vmem_shared>>
      tpu.wait_dma2 semaphore(%run_scoped3A : memref<!tpu.dma_semaphore, #tpu.memory_space<semaphore_mem>>) src(%arg5 : memref<640x128xf32, #tpu.memory_space<hbm>>) dst(%dma_wait3A_42 : memref<640x128xf32, #tpu.memory_space<vmem_shared>>)
      tpu.yield
    }) : () -> ()
    %barrier3A = arith.constant 0 : index
    tpu.barrier barrier_id(%barrier3A)
    %mul3A_3 = arith.constant 10240 : i32
    %mul3A_4 = arith.muli %add3A, %mul3A_3 : i32
    %add3A_5 = arith.constant 0 : i32
    %add3A_6 = arith.addi %mul3A_4, %add3A_5 : i32
    "tpu.region"() ({
      %run_scoped3A = tpu.sem_alloc : memref<!tpu.dma_semaphore, #tpu.memory_space<semaphore_mem>>
      %dma_start3A_39 = tpu.memref_slice %arg3[%add3A_6] : memref<327680xi32, #tpu.memory_space<hbm>> -> memref<128xi32, #tpu.memory_space<hbm>>
      %dma_start3A_40 = tpu.memref_slice %arg3[%add3A_6] : memref<327680xi32, #tpu.memory_space<hbm>> -> memref<128xi32, #tpu.memory_space<hbm>>
      tpu.enqueue_dma source(%dma_start3A_40 : memref<128xi32, #tpu.memory_space<hbm>>) target(%arg7 : memref<128xi32, #tpu.memory_space<vmem>>) target_semaphore(%run_scoped3A : memref<!tpu.dma_semaphore, #tpu.memory_space<semaphore_mem>>)
      %dma_wait3A_41 = tpu.memref_slice %arg3[%add3A_6] : memref<327680xi32, #tpu.memory_space<hbm>> -> memref<128xi32, #tpu.memory_space<hbm>>
      %dma_wait3A_42 = tpu.memref_slice %arg3[%add3A_6] : memref<327680xi32, #tpu.memory_space<hbm>> -> memref<128xi32, #tpu.memory_space<hbm>>
      tpu.wait_dma2 semaphore(%run_scoped3A : memref<!tpu.dma_semaphore, #tpu.memory_space<semaphore_mem>>) src(%dma_wait3A_42 : memref<128xi32, #tpu.memory_space<hbm>>) dst(%arg7 : memref<128xi32, #tpu.memory_space<vmem>>)
      tpu.yield
    }) : () -> ()
    %dma_start3A = arith.constant 0 : i32
    %dma_start3A_7 = arith.constant 0 : i32
    %dma_start3A_8 = tpu.memref_slice %arg2[%dma_start3A, %dma_start3A_7] : memref<10000x128xf32, #tpu.memory_space<hbm>> -> memref<10000x128xf32, #tpu.memory_space<hbm>>
    tpu.enqueue_indirect_dma source(%dma_start3A_8 : memref<10000x128xf32, #tpu.memory_space<hbm>>) target(%arg11 : memref<128x128xf32, #tpu.memory_space<vmem>>) offsets(%arg7 : memref<128xi32, #tpu.memory_space<vmem>>) semaphore(%arg14 : memref<!tpu.dma_semaphore, #tpu.memory_space<semaphore_mem>>)
    %mul3A_9 = arith.constant 10240 : i32
    %mul3A_10 = arith.muli %add3A, %mul3A_9 : i32
    %add3A_11 = arith.constant 128 : i32
    %add3A_12 = arith.addi %mul3A_10, %add3A_11 : i32
    "tpu.region"() ({
      %run_scoped3A = tpu.sem_alloc : memref<!tpu.dma_semaphore, #tpu.memory_space<semaphore_mem>>
      %dma_start3A_39 = tpu.memref_slice %arg3[%add3A_12] : memref<327680xi32, #tpu.memory_space<hbm>> -> memref<128xi32, #tpu.memory_space<hbm>>
      %dma_start3A_40 = tpu.memref_slice %arg3[%add3A_12] : memref<327680xi32, #tpu.memory_space<hbm>> -> memref<128xi32, #tpu.memory_space<hbm>>
      tpu.enqueue_dma source(%dma_start3A_40 : memref<128xi32, #tpu.memory_space<hbm>>) target(%arg8 : memref<128xi32, #tpu.memory_space<vmem>>) target_semaphore(%run_scoped3A : memref<!tpu.dma_semaphore, #tpu.memory_space<semaphore_mem>>)
      %dma_wait3A_41 = tpu.memref_slice %arg3[%add3A_12] : memref<327680xi32, #tpu.memory_space<hbm>> -> memref<128xi32, #tpu.memory_space<hbm>>
      %dma_wait3A_42 = tpu.memref_slice %arg3[%add3A_12] : memref<327680xi32, #tpu.memory_space<hbm>> -> memref<128xi32, #tpu.memory_space<hbm>>
      tpu.wait_dma2 semaphore(%run_scoped3A : memref<!tpu.dma_semaphore, #tpu.memory_space<semaphore_mem>>) src(%dma_wait3A_42 : memref<128xi32, #tpu.memory_space<hbm>>) dst(%arg8 : memref<128xi32, #tpu.memory_space<vmem>>)
      tpu.yield
    }) : () -> ()
    %dma_start3A_13 = arith.constant 0 : i32
    %dma_start3A_14 = arith.constant 0 : i32
    %dma_start3A_15 = tpu.memref_slice %arg2[%dma_start3A_13, %dma_start3A_14] : memref<10000x128xf32, #tpu.memory_space<hbm>> -> memref<10000x128xf32, #tpu.memory_space<hbm>>
    tpu.enqueue_indirect_dma source(%dma_start3A_15 : memref<10000x128xf32, #tpu.memory_space<hbm>>) target(%arg12 : memref<128x128xf32, #tpu.memory_space<vmem>>) offsets(%arg8 : memref<128xi32, #tpu.memory_space<vmem>>) semaphore(%arg15 : memref<!tpu.dma_semaphore, #tpu.memory_space<semaphore_mem>>)
    %scan3A = arith.constant 0 : i32
    %scan3A_16 = arith.constant 39 : i32
    %scan3A_17 = arith.addi %scan3A, %scan3A_16 : i32
    %scan3A_18 = arith.constant 1 : i32
    scf.for %scan3A_39 = %scan3A to %scan3A_17 step %scan3A_18  : i32 {
      %mul3A_40 = arith.constant 2 : i32
      %mul3A_41 = arith.muli %scan3A_39, %mul3A_40 : i32
      %add3A_42 = arith.constant 0 : i32
      %add3A_43 = arith.addi %add3A_42, %mul3A_41 : i32
      %dma_wait3A_44 = arith.constant 0 : i32
      %dma_wait3A_45 = arith.constant 0 : i32
      %dma_wait3A_46 = tpu.memref_slice %arg2[%dma_wait3A_44, %dma_wait3A_45] : memref<10000x128xf32, #tpu.memory_space<hbm>> -> memref<10000x128xf32, #tpu.memory_space<hbm>>
      tpu.wait_indirect_dma semaphore(%arg14 : memref<!tpu.dma_semaphore, #tpu.memory_space<semaphore_mem>>) src(%dma_wait3A_46 : memref<10000x128xf32, #tpu.memory_space<hbm>>) dst(%arg11 : memref<128x128xf32, #tpu.memory_space<vmem>>)
      %mul3A_47 = arith.constant 10240 : i32
      %mul3A_48 = arith.muli %add3A, %mul3A_47 : i32
      %mul3A_49 = arith.constant 128 : i32
      %mul3A_50 = arith.muli %add3A_43, %mul3A_49 : i32
      %add3A_51 = arith.addi %mul3A_48, %mul3A_50 : i32
      "tpu.region"() ({
        %run_scoped3A = tpu.sem_alloc : memref<!tpu.dma_semaphore, #tpu.memory_space<semaphore_mem>>
        %dma_start3A_82 = tpu.memref_slice %arg4[%add3A_51] : memref<327680xi32, #tpu.memory_space<hbm>> -> memref<128xi32, #tpu.memory_space<hbm>>
        %dma_start3A_83 = tpu.memref_slice %arg4[%add3A_51] : memref<327680xi32, #tpu.memory_space<hbm>> -> memref<128xi32, #tpu.memory_space<hbm>>
        tpu.enqueue_dma source(%dma_start3A_83 : memref<128xi32, #tpu.memory_space<hbm>>) target(%arg9 : memref<128xi32, #tpu.memory_space<vmem>>) target_semaphore(%run_scoped3A : memref<!tpu.dma_semaphore, #tpu.memory_space<semaphore_mem>>)
        %dma_wait3A_84 = tpu.memref_slice %arg4[%add3A_51] : memref<327680xi32, #tpu.memory_space<hbm>> -> memref<128xi32, #tpu.memory_space<hbm>>
        %dma_wait3A_85 = tpu.memref_slice %arg4[%add3A_51] : memref<327680xi32, #tpu.memory_space<hbm>> -> memref<128xi32, #tpu.memory_space<hbm>>
        tpu.wait_dma2 semaphore(%run_scoped3A : memref<!tpu.dma_semaphore, #tpu.memory_space<semaphore_mem>>) src(%dma_wait3A_85 : memref<128xi32, #tpu.memory_space<hbm>>) dst(%arg9 : memref<128xi32, #tpu.memory_space<vmem>>)
        tpu.yield
      }) : () -> ()
      "tpu.region"() ({
        %run_scoped3A = tpu.sem_alloc : memref<!tpu.dma_semaphore, #tpu.memory_space<semaphore_mem>>
        %dma_start3A_82 = arith.constant 0 : i32
        %dma_start3A_83 = arith.constant 0 : i32
        %dma_start3A_84 = tpu.memref_slice %arg13[%dma_start3A_82, %dma_start3A_83] : memref<10240x128xf32, #tpu.memory_space<vmem_shared>> -> memref<10240x128xf32, #tpu.memory_space<vmem_shared>>
        tpu.enqueue_indirect_dma source(%arg11 : memref<128x128xf32, #tpu.memory_space<vmem>>) target(%dma_start3A_84 : memref<10240x128xf32, #tpu.memory_space<vmem_shared>>) offsets(%arg9 : memref<128xi32, #tpu.memory_space<vmem>>) semaphore(%run_scoped3A : memref<!tpu.dma_semaphore, #tpu.memory_space<semaphore_mem>>) {add = true}
        %dma_wait3A_85 = arith.constant 0 : i32
        %dma_wait3A_86 = arith.constant 0 : i32
        %dma_wait3A_87 = tpu.memref_slice %arg13[%dma_wait3A_85, %dma_wait3A_86] : memref<10240x128xf32, #tpu.memory_space<vmem_shared>> -> memref<10240x128xf32, #tpu.memory_space<vmem_shared>>
        tpu.wait_indirect_dma semaphore(%run_scoped3A : memref<!tpu.dma_semaphore, #tpu.memory_space<semaphore_mem>>) src(%arg11 : memref<128x128xf32, #tpu.memory_space<vmem>>) dst(%dma_wait3A_87 : memref<10240x128xf32, #tpu.memory_space<vmem_shared>>)
        tpu.yield
      }) : () -> ()
      %add3A_52 = arith.constant 2 : i32
      %add3A_53 = arith.addi %add3A_43, %add3A_52 : i32
      %mul3A_54 = arith.constant 10240 : i32
      %mul3A_55 = arith.muli %add3A, %mul3A_54 : i32
      %mul3A_56 = arith.constant 128 : i32
      %mul3A_57 = arith.muli %add3A_53, %mul3A_56 : i32
      %add3A_58 = arith.addi %mul3A_55, %mul3A_57 : i32
      "tpu.region"() ({
        %run_scoped3A = tpu.sem_alloc : memref<!tpu.dma_semaphore, #tpu.memory_space<semaphore_mem>>
        %dma_start3A_82 = tpu.memref_slice %arg3[%add3A_58] : memref<327680xi32, #tpu.memory_space<hbm>> -> memref<128xi32, #tpu.memory_space<hbm>>
        %dma_start3A_83 = tpu.memref_slice %arg3[%add3A_58] : memref<327680xi32, #tpu.memory_space<hbm>> -> memref<128xi32, #tpu.memory_space<hbm>>
        tpu.enqueue_dma source(%dma_start3A_83 : memref<128xi32, #tpu.memory_space<hbm>>) target(%arg7 : memref<128xi32, #tpu.memory_space<vmem>>) target_semaphore(%run_scoped3A : memref<!tpu.dma_semaphore, #tpu.memory_space<semaphore_mem>>)
        %dma_wait3A_84 = tpu.memref_slice %arg3[%add3A_58] : memref<327680xi32, #tpu.memory_space<hbm>> -> memref<128xi32, #tpu.memory_space<hbm>>
        %dma_wait3A_85 = tpu.memref_slice %arg3[%add3A_58] : memref<327680xi32, #tpu.memory_space<hbm>> -> memref<128xi32, #tpu.memory_space<hbm>>
        tpu.wait_dma2 semaphore(%run_scoped3A : memref<!tpu.dma_semaphore, #tpu.memory_space<semaphore_mem>>) src(%dma_wait3A_85 : memref<128xi32, #tpu.memory_space<hbm>>) dst(%arg7 : memref<128xi32, #tpu.memory_space<vmem>>)
        tpu.yield
      }) : () -> ()
      %dma_start3A_59 = arith.constant 0 : i32
      %dma_start3A_60 = arith.constant 0 : i32
      %dma_start3A_61 = tpu.memref_slice %arg2[%dma_start3A_59, %dma_start3A_60] : memref<10000x128xf32, #tpu.memory_space<hbm>> -> memref<10000x128xf32, #tpu.memory_space<hbm>>
      tpu.enqueue_indirect_dma source(%dma_start3A_61 : memref<10000x128xf32, #tpu.memory_space<hbm>>) target(%arg11 : memref<128x128xf32, #tpu.memory_space<vmem>>) offsets(%arg7 : memref<128xi32, #tpu.memory_space<vmem>>) semaphore(%arg14 : memref<!tpu.dma_semaphore, #tpu.memory_space<semaphore_mem>>)
      %dma_wait3A_62 = arith.constant 0 : i32
      %dma_wait3A_63 = arith.constant 0 : i32
      %dma_wait3A_64 = tpu.memref_slice %arg2[%dma_wait3A_62, %dma_wait3A_63] : memref<10000x128xf32, #tpu.memory_space<hbm>> -> memref<10000x128xf32, #tpu.memory_space<hbm>>
      tpu.wait_indirect_dma semaphore(%arg15 : memref<!tpu.dma_semaphore, #tpu.memory_space<semaphore_mem>>) src(%dma_wait3A_64 : memref<10000x128xf32, #tpu.memory_space<hbm>>) dst(%arg12 : memref<128x128xf32, #tpu.memory_space<vmem>>)
      %add3A_65 = arith.constant 1 : i32
      %add3A_66 = arith.addi %add3A_43, %add3A_65 : i32
      %mul3A_67 = arith.constant 10240 : i32
      %mul3A_68 = arith.muli %add3A, %mul3A_67 : i32
      %mul3A_69 = arith.constant 128 : i32
      %mul3A_70 = arith.muli %add3A_66, %mul3A_69 : i32
      %add3A_71 = arith.addi %mul3A_68, %mul3A_70 : i32
      "tpu.region"() ({
        %run_scoped3A = tpu.sem_alloc : memref<!tpu.dma_semaphore, #tpu.memory_space<semaphore_mem>>
        %dma_start3A_82 = tpu.memref_slice %arg4[%add3A_71] : memref<327680xi32, #tpu.memory_space<hbm>> -> memref<128xi32, #tpu.memory_space<hbm>>
        %dma_start3A_83 = tpu.memref_slice %arg4[%add3A_71] : memref<327680xi32, #tpu.memory_space<hbm>> -> memref<128xi32, #tpu.memory_space<hbm>>
        tpu.enqueue_dma source(%dma_start3A_83 : memref<128xi32, #tpu.memory_space<hbm>>) target(%arg10 : memref<128xi32, #tpu.memory_space<vmem>>) target_semaphore(%run_scoped3A : memref<!tpu.dma_semaphore, #tpu.memory_space<semaphore_mem>>)
        %dma_wait3A_84 = tpu.memref_slice %arg4[%add3A_71] : memref<327680xi32, #tpu.memory_space<hbm>> -> memref<128xi32, #tpu.memory_space<hbm>>
        %dma_wait3A_85 = tpu.memref_slice %arg4[%add3A_71] : memref<327680xi32, #tpu.memory_space<hbm>> -> memref<128xi32, #tpu.memory_space<hbm>>
        tpu.wait_dma2 semaphore(%run_scoped3A : memref<!tpu.dma_semaphore, #tpu.memory_space<semaphore_mem>>) src(%dma_wait3A_85 : memref<128xi32, #tpu.memory_space<hbm>>) dst(%arg10 : memref<128xi32, #tpu.memory_space<vmem>>)
        tpu.yield
      }) : () -> ()
      "tpu.region"() ({
        %run_scoped3A = tpu.sem_alloc : memref<!tpu.dma_semaphore, #tpu.memory_space<semaphore_mem>>
        %dma_start3A_82 = arith.constant 0 : i32
        %dma_start3A_83 = arith.constant 0 : i32
        %dma_start3A_84 = tpu.memref_slice %arg13[%dma_start3A_82, %dma_start3A_83] : memref<10240x128xf32, #tpu.memory_space<vmem_shared>> -> memref<10240x128xf32, #tpu.memory_space<vmem_shared>>
        tpu.enqueue_indirect_dma source(%arg12 : memref<128x128xf32, #tpu.memory_space<vmem>>) target(%dma_start3A_84 : memref<10240x128xf32, #tpu.memory_space<vmem_shared>>) offsets(%arg10 : memref<128xi32, #tpu.memory_space<vmem>>) semaphore(%run_scoped3A : memref<!tpu.dma_semaphore, #tpu.memory_space<semaphore_mem>>) {add = true}
        %dma_wait3A_85 = arith.constant 0 : i32
        %dma_wait3A_86 = arith.constant 0 : i32
        %dma_wait3A_87 = tpu.memref_slice %arg13[%dma_wait3A_85, %dma_wait3A_86] : memref<10240x128xf32, #tpu.memory_space<vmem_shared>> -> memref<10240x128xf32, #tpu.memory_space<vmem_shared>>
        tpu.wait_indirect_dma semaphore(%run_scoped3A : memref<!tpu.dma_semaphore, #tpu.memory_space<semaphore_mem>>) src(%arg12 : memref<128x128xf32, #tpu.memory_space<vmem>>) dst(%dma_wait3A_87 : memref<10240x128xf32, #tpu.memory_space<vmem_shared>>)
        tpu.yield
      }) : () -> ()
      %add3A_72 = arith.constant 3 : i32
      %add3A_73 = arith.addi %add3A_43, %add3A_72 : i32
      %mul3A_74 = arith.constant 10240 : i32
      %mul3A_75 = arith.muli %add3A, %mul3A_74 : i32
      %mul3A_76 = arith.constant 128 : i32
      %mul3A_77 = arith.muli %add3A_73, %mul3A_76 : i32
      %add3A_78 = arith.addi %mul3A_75, %mul3A_77 : i32
      "tpu.region"() ({
        %run_scoped3A = tpu.sem_alloc : memref<!tpu.dma_semaphore, #tpu.memory_space<semaphore_mem>>
        %dma_start3A_82 = tpu.memref_slice %arg3[%add3A_78] : memref<327680xi32, #tpu.memory_space<hbm>> -> memref<128xi32, #tpu.memory_space<hbm>>
        %dma_start3A_83 = tpu.memref_slice %arg3[%add3A_78] : memref<327680xi32, #tpu.memory_space<hbm>> -> memref<128xi32, #tpu.memory_space<hbm>>
        tpu.enqueue_dma source(%dma_start3A_83 : memref<128xi32, #tpu.memory_space<hbm>>) target(%arg8 : memref<128xi32, #tpu.memory_space<vmem>>) target_semaphore(%run_scoped3A : memref<!tpu.dma_semaphore, #tpu.memory_space<semaphore_mem>>)
        %dma_wait3A_84 = tpu.memref_slice %arg3[%add3A_78] : memref<327680xi32, #tpu.memory_space<hbm>> -> memref<128xi32, #tpu.memory_space<hbm>>
        %dma_wait3A_85 = tpu.memref_slice %arg3[%add3A_78] : memref<327680xi32, #tpu.memory_space<hbm>> -> memref<128xi32, #tpu.memory_space<hbm>>
        tpu.wait_dma2 semaphore(%run_scoped3A : memref<!tpu.dma_semaphore, #tpu.memory_space<semaphore_mem>>) src(%dma_wait3A_85 : memref<128xi32, #tpu.memory_space<hbm>>) dst(%arg8 : memref<128xi32, #tpu.memory_space<vmem>>)
        tpu.yield
      }) : () -> ()
      %dma_start3A_79 = arith.constant 0 : i32
      %dma_start3A_80 = arith.constant 0 : i32
      %dma_start3A_81 = tpu.memref_slice %arg2[%dma_start3A_79, %dma_start3A_80] : memref<10000x128xf32, #tpu.memory_space<hbm>> -> memref<10000x128xf32, #tpu.memory_space<hbm>>
      tpu.enqueue_indirect_dma source(%dma_start3A_81 : memref<10000x128xf32, #tpu.memory_space<hbm>>) target(%arg12 : memref<128x128xf32, #tpu.memory_space<vmem>>) offsets(%arg8 : memref<128xi32, #tpu.memory_space<vmem>>) semaphore(%arg15 : memref<!tpu.dma_semaphore, #tpu.memory_space<semaphore_mem>>)
    }
    %scan3A_19 = arith.constant 39 : i32
    %dma_wait3A = arith.constant 0 : i32
    %dma_wait3A_20 = arith.constant 0 : i32
    %dma_wait3A_21 = tpu.memref_slice %arg2[%dma_wait3A, %dma_wait3A_20] : memref<10000x128xf32, #tpu.memory_space<hbm>> -> memref<10000x128xf32, #tpu.memory_space<hbm>>
    tpu.wait_indirect_dma semaphore(%arg14 : memref<!tpu.dma_semaphore, #tpu.memory_space<semaphore_mem>>) src(%dma_wait3A_21 : memref<10000x128xf32, #tpu.memory_space<hbm>>) dst(%arg11 : memref<128x128xf32, #tpu.memory_space<vmem>>)
    %mul3A_22 = arith.constant 10240 : i32
    %mul3A_23 = arith.muli %add3A, %mul3A_22 : i32
    %add3A_24 = arith.constant 9984 : i32
    %add3A_25 = arith.addi %mul3A_23, %add3A_24 : i32
    "tpu.region"() ({
      %run_scoped3A = tpu.sem_alloc : memref<!tpu.dma_semaphore, #tpu.memory_space<semaphore_mem>>
      %dma_start3A_39 = tpu.memref_slice %arg4[%add3A_25] : memref<327680xi32, #tpu.memory_space<hbm>> -> memref<128xi32, #tpu.memory_space<hbm>>
      %dma_start3A_40 = tpu.memref_slice %arg4[%add3A_25] : memref<327680xi32, #tpu.memory_space<hbm>> -> memref<128xi32, #tpu.memory_space<hbm>>
      tpu.enqueue_dma source(%dma_start3A_40 : memref<128xi32, #tpu.memory_space<hbm>>) target(%arg9 : memref<128xi32, #tpu.memory_space<vmem>>) target_semaphore(%run_scoped3A : memref<!tpu.dma_semaphore, #tpu.memory_space<semaphore_mem>>)
      %dma_wait3A_41 = tpu.memref_slice %arg4[%add3A_25] : memref<327680xi32, #tpu.memory_space<hbm>> -> memref<128xi32, #tpu.memory_space<hbm>>
      %dma_wait3A_42 = tpu.memref_slice %arg4[%add3A_25] : memref<327680xi32, #tpu.memory_space<hbm>> -> memref<128xi32, #tpu.memory_space<hbm>>
      tpu.wait_dma2 semaphore(%run_scoped3A : memref<!tpu.dma_semaphore, #tpu.memory_space<semaphore_mem>>) src(%dma_wait3A_42 : memref<128xi32, #tpu.memory_space<hbm>>) dst(%arg9 : memref<128xi32, #tpu.memory_space<vmem>>)
      tpu.yield
    }) : () -> ()
    "tpu.region"() ({
      %run_scoped3A = tpu.sem_alloc : memref<!tpu.dma_semaphore, #tpu.memory_space<semaphore_mem>>
      %dma_start3A_39 = arith.constant 0 : i32
      %dma_start3A_40 = arith.constant 0 : i32
      %dma_start3A_41 = tpu.memref_slice %arg13[%dma_start3A_39, %dma_start3A_40] : memref<10240x128xf32, #tpu.memory_space<vmem_shared>> -> memref<10240x128xf32, #tpu.memory_space<vmem_shared>>
      tpu.enqueue_indirect_dma source(%arg11 : memref<128x128xf32, #tpu.memory_space<vmem>>) target(%dma_start3A_41 : memref<10240x128xf32, #tpu.memory_space<vmem_shared>>) offsets(%arg9 : memref<128xi32, #tpu.memory_space<vmem>>) semaphore(%run_scoped3A : memref<!tpu.dma_semaphore, #tpu.memory_space<semaphore_mem>>) {add = true}
      %dma_wait3A_42 = arith.constant 0 : i32
      %dma_wait3A_43 = arith.constant 0 : i32
      %dma_wait3A_44 = tpu.memref_slice %arg13[%dma_wait3A_42, %dma_wait3A_43] : memref<10240x128xf32, #tpu.memory_space<vmem_shared>> -> memref<10240x128xf32, #tpu.memory_space<vmem_shared>>
      tpu.wait_indirect_dma semaphore(%run_scoped3A : memref<!tpu.dma_semaphore, #tpu.memory_space<semaphore_mem>>) src(%arg11 : memref<128x128xf32, #tpu.memory_space<vmem>>) dst(%dma_wait3A_44 : memref<10240x128xf32, #tpu.memory_space<vmem_shared>>)
      tpu.yield
    }) : () -> ()
    %dma_wait3A_26 = arith.constant 0 : i32
    %dma_wait3A_27 = arith.constant 0 : i32
    %dma_wait3A_28 = tpu.memref_slice %arg2[%dma_wait3A_26, %dma_wait3A_27] : memref<10000x128xf32, #tpu.memory_space<hbm>> -> memref<10000x128xf32, #tpu.memory_space<hbm>>
    tpu.wait_indirect_dma semaphore(%arg15 : memref<!tpu.dma_semaphore, #tpu.memory_space<semaphore_mem>>) src(%dma_wait3A_28 : memref<10000x128xf32, #tpu.memory_space<hbm>>) dst(%arg12 : memref<128x128xf32, #tpu.memory_space<vmem>>)
    %mul3A_29 = arith.constant 10240 : i32
    %mul3A_30 = arith.muli %add3A, %mul3A_29 : i32
    %add3A_31 = arith.constant 10112 : i32
    %add3A_32 = arith.addi %mul3A_30, %add3A_31 : i32
    "tpu.region"() ({
      %run_scoped3A = tpu.sem_alloc : memref<!tpu.dma_semaphore, #tpu.memory_space<semaphore_mem>>
      %dma_start3A_39 = tpu.memref_slice %arg4[%add3A_32] : memref<327680xi32, #tpu.memory_space<hbm>> -> memref<128xi32, #tpu.memory_space<hbm>>
      %dma_start3A_40 = tpu.memref_slice %arg4[%add3A_32] : memref<327680xi32, #tpu.memory_space<hbm>> -> memref<128xi32, #tpu.memory_space<hbm>>
      tpu.enqueue_dma source(%dma_start3A_40 : memref<128xi32, #tpu.memory_space<hbm>>) target(%arg10 : memref<128xi32, #tpu.memory_space<vmem>>) target_semaphore(%run_scoped3A : memref<!tpu.dma_semaphore, #tpu.memory_space<semaphore_mem>>)
      %dma_wait3A_41 = tpu.memref_slice %arg4[%add3A_32] : memref<327680xi32, #tpu.memory_space<hbm>> -> memref<128xi32, #tpu.memory_space<hbm>>
      %dma_wait3A_42 = tpu.memref_slice %arg4[%add3A_32] : memref<327680xi32, #tpu.memory_space<hbm>> -> memref<128xi32, #tpu.memory_space<hbm>>
      tpu.wait_dma2 semaphore(%run_scoped3A : memref<!tpu.dma_semaphore, #tpu.memory_space<semaphore_mem>>) src(%dma_wait3A_42 : memref<128xi32, #tpu.memory_space<hbm>>) dst(%arg10 : memref<128xi32, #tpu.memory_space<vmem>>)
      tpu.yield
    }) : () -> ()
    "tpu.region"() ({
      %run_scoped3A = tpu.sem_alloc : memref<!tpu.dma_semaphore, #tpu.memory_space<semaphore_mem>>
      %dma_start3A_39 = arith.constant 0 : i32
      %dma_start3A_40 = arith.constant 0 : i32
      %dma_start3A_41 = tpu.memref_slice %arg13[%dma_start3A_39, %dma_start3A_40] : memref<10240x128xf32, #tpu.memory_space<vmem_shared>> -> memref<10240x128xf32, #tpu.memory_space<vmem_shared>>
      tpu.enqueue_indirect_dma source(%arg12 : memref<128x128xf32, #tpu.memory_space<vmem>>) target(%dma_start3A_41 : memref<10240x128xf32, #tpu.memory_space<vmem_shared>>) offsets(%arg10 : memref<128xi32, #tpu.memory_space<vmem>>) semaphore(%run_scoped3A : memref<!tpu.dma_semaphore, #tpu.memory_space<semaphore_mem>>) {add = true}
      %dma_wait3A_42 = arith.constant 0 : i32
      %dma_wait3A_43 = arith.constant 0 : i32
      %dma_wait3A_44 = tpu.memref_slice %arg13[%dma_wait3A_42, %dma_wait3A_43] : memref<10240x128xf32, #tpu.memory_space<vmem_shared>> -> memref<10240x128xf32, #tpu.memory_space<vmem_shared>>
      tpu.wait_indirect_dma semaphore(%run_scoped3A : memref<!tpu.dma_semaphore, #tpu.memory_space<semaphore_mem>>) src(%arg12 : memref<128x128xf32, #tpu.memory_space<vmem>>) dst(%dma_wait3A_44 : memref<10240x128xf32, #tpu.memory_space<vmem_shared>>)
      tpu.yield
    }) : () -> ()
    %barrier3A_33 = arith.constant 0 : index
    tpu.barrier barrier_id(%barrier3A_33)
    %scan3A_34 = arith.constant 0 : i32
    %scan3A_35 = arith.constant 5 : i32
    %scan3A_36 = arith.addi %scan3A_34, %scan3A_35 : i32
    %scan3A_37 = arith.constant 1 : i32
    scf.for %scan3A_39 = %scan3A_34 to %scan3A_36 step %scan3A_37  : i32 {
      %mul3A_40 = arith.constant 128 : i32
      %mul3A_41 = arith.muli %scan3A_39, %mul3A_40 : i32
      %add3A_42 = arith.constant 0 : i32
      %add3A_43 = arith.addi %add3A_42, %mul3A_41 : i32
      %mul3A_44 = arith.constant 640 : i32
      %mul3A_45 = arith.muli %arg1, %mul3A_44 : i32
      %add3A_46 = arith.addi %mul3A_45, %add3A_43 : i32
      %mul3A_47 = arith.constant 10240 : i32
      %mul3A_48 = arith.muli %arg0, %mul3A_47 : i32
      %add3A_49 = arith.addi %mul3A_48, %add3A_46 : i32
      "tpu.region"() ({
        %run_scoped3A = tpu.sem_alloc : memref<!tpu.dma_semaphore, #tpu.memory_space<semaphore_mem>>
        %dma_start3A_50 = arith.constant 0 : i32
        %dma_start3A_51 = tpu.memref_slice %arg6[%add3A_49, %dma_start3A_50] : memref<20480x128xf32, #tpu.memory_space<hbm>> -> memref<128x128xf32, #tpu.memory_space<hbm>>
        %dma_start3A_52 = arith.constant 0 : i32
        %dma_start3A_53 = tpu.memref_slice %arg13[%add3A_46, %dma_start3A_52] : memref<10240x128xf32, #tpu.memory_space<vmem_shared>> -> memref<128x128xf32, #tpu.memory_space<vmem_shared>>
        tpu.enqueue_dma source(%dma_start3A_53 : memref<128x128xf32, #tpu.memory_space<vmem_shared>>) target(%dma_start3A_51 : memref<128x128xf32, #tpu.memory_space<hbm>>) target_semaphore(%run_scoped3A : memref<!tpu.dma_semaphore, #tpu.memory_space<semaphore_mem>>)
        %dma_wait3A_54 = arith.constant 0 : i32
        %dma_wait3A_55 = tpu.memref_slice %arg6[%add3A_49, %dma_wait3A_54] : memref<20480x128xf32, #tpu.memory_space<hbm>> -> memref<128x128xf32, #tpu.memory_space<hbm>>
        %dma_wait3A_56 = arith.constant 0 : i32
        %dma_wait3A_57 = tpu.memref_slice %arg13[%add3A_46, %dma_wait3A_56] : memref<10240x128xf32, #tpu.memory_space<vmem_shared>> -> memref<128x128xf32, #tpu.memory_space<vmem_shared>>
        tpu.wait_dma2 semaphore(%run_scoped3A : memref<!tpu.dma_semaphore, #tpu.memory_space<semaphore_mem>>) src(%dma_wait3A_57 : memref<128x128xf32, #tpu.memory_space<vmem_shared>>) dst(%dma_wait3A_55 : memref<128x128xf32, #tpu.memory_space<hbm>>)
        tpu.yield
      }) : () -> ()
    }
    %scan3A_38 = arith.constant 5 : i32
    return
  }
}

#map = affine_map<(d0, d1) -> (0)>
#map1 = affine_map<(d0, d1) -> (0, 0)>
module attributes {stable_mosaic.version = 14 : i64} {
  func.func @k(%arg0: i32, %arg1: i32, %arg2: memref<327680xi32, #tpu.memory_space<hbm>>, %arg3: memref<128x128xf32, #tpu.memory_space<hbm>>, %arg4: memref<640x128xf32, #tpu.memory_space<hbm>>, %arg5: memref<20480x128xf32, #tpu.memory_space<hbm>>, %arg6: memref<128xi32, #tpu.memory_space<vmem>>, %arg7: memref<128x128xf32, #tpu.memory_space<vmem>>, %arg8: memref<10240x128xf32, #tpu.memory_space<vmem_shared>>) attributes {dimension_semantics = [#tpu.dimension_semantics<core_parallel>, #tpu.dimension_semantics<subcore_parallel>], iteration_bounds = array<i64: 2, 16>, scalar_prefetch = 0 : i64, scratch_operands = 3 : i64, tpu.core_type = #tpu.core_type<sc_vector_subcore>, window_params = [{transform_indices = #map}, {transform_indices = #map1}, {transform_indices = #map1}, {transform_indices = #map1}]} {
    %mul3A = arith.constant 2 : i32
    %mul3A_0 = arith.muli %arg1, %mul3A : i32
    %add3A = arith.addi %mul3A_0, %arg0 : i32
    "tpu.region"() ({
      %run_scoped3A = tpu.sem_alloc : memref<!tpu.dma_semaphore, #tpu.memory_space<semaphore_mem>>
      tpu.enqueue_dma source(%arg3 : memref<128x128xf32, #tpu.memory_space<hbm>>) target(%arg7 : memref<128x128xf32, #tpu.memory_space<vmem>>) target_semaphore(%run_scoped3A : memref<!tpu.dma_semaphore, #tpu.memory_space<semaphore_mem>>)
      tpu.wait_dma2 semaphore(%run_scoped3A : memref<!tpu.dma_semaphore, #tpu.memory_space<semaphore_mem>>) src(%arg3 : memref<128x128xf32, #tpu.memory_space<hbm>>) dst(%arg7 : memref<128x128xf32, #tpu.memory_space<vmem>>)
      tpu.yield
    }) : () -> ()
    %mul3A_1 = arith.constant 640 : i32
    %mul3A_2 = arith.muli %arg1, %mul3A_1 : i32
    "tpu.region"() ({
      %run_scoped3A = tpu.sem_alloc : memref<!tpu.dma_semaphore, #tpu.memory_space<semaphore_mem>>
      %dma_start3A = arith.constant 0 : i32
      %dma_start3A_13 = tpu.memref_slice %arg8[%mul3A_2, %dma_start3A] : memref<10240x128xf32, #tpu.memory_space<vmem_shared>> -> memref<640x128xf32, #tpu.memory_space<vmem_shared>>
      tpu.enqueue_dma source(%arg4 : memref<640x128xf32, #tpu.memory_space<hbm>>) target(%dma_start3A_13 : memref<640x128xf32, #tpu.memory_space<vmem_shared>>) target_semaphore(%run_scoped3A : memref<!tpu.dma_semaphore, #tpu.memory_space<semaphore_mem>>)
      %dma_wait3A = arith.constant 0 : i32
      %dma_wait3A_14 = tpu.memref_slice %arg8[%mul3A_2, %dma_wait3A] : memref<10240x128xf32, #tpu.memory_space<vmem_shared>> -> memref<640x128xf32, #tpu.memory_space<vmem_shared>>
      tpu.wait_dma2 semaphore(%run_scoped3A : memref<!tpu.dma_semaphore, #tpu.memory_space<semaphore_mem>>) src(%arg4 : memref<640x128xf32, #tpu.memory_space<hbm>>) dst(%dma_wait3A_14 : memref<640x128xf32, #tpu.memory_space<vmem_shared>>)
      tpu.yield
    }) : () -> ()
    %barrier3A = arith.constant 0 : index
    tpu.barrier barrier_id(%barrier3A)
    %scan3A = arith.constant 0 : i32
    %scan3A_3 = arith.constant 80 : i32
    %scan3A_4 = arith.addi %scan3A, %scan3A_3 : i32
    %scan3A_5 = arith.constant 1 : i32
    scf.for %scan3A_13 = %scan3A to %scan3A_4 step %scan3A_5  : i32 {
      %mul3A_14 = arith.constant 1 : i32
      %mul3A_15 = arith.muli %scan3A_13, %mul3A_14 : i32
      %add3A_16 = arith.constant 0 : i32
      %add3A_17 = arith.addi %add3A_16, %mul3A_15 : i32
      %mul3A_18 = arith.constant 10240 : i32
      %mul3A_19 = arith.muli %add3A, %mul3A_18 : i32
      %mul3A_20 = arith.constant 128 : i32
      %mul3A_21 = arith.muli %add3A_17, %mul3A_20 : i32
      %add3A_22 = arith.addi %mul3A_19, %mul3A_21 : i32
      "tpu.region"() ({
        %run_scoped3A = tpu.sem_alloc : memref<!tpu.dma_semaphore, #tpu.memory_space<semaphore_mem>>
        %dma_start3A = tpu.memref_slice %arg2[%add3A_22] : memref<327680xi32, #tpu.memory_space<hbm>> -> memref<128xi32, #tpu.memory_space<hbm>>
        %dma_start3A_23 = tpu.memref_slice %arg2[%add3A_22] : memref<327680xi32, #tpu.memory_space<hbm>> -> memref<128xi32, #tpu.memory_space<hbm>>
        tpu.enqueue_dma source(%dma_start3A_23 : memref<128xi32, #tpu.memory_space<hbm>>) target(%arg6 : memref<128xi32, #tpu.memory_space<vmem>>) target_semaphore(%run_scoped3A : memref<!tpu.dma_semaphore, #tpu.memory_space<semaphore_mem>>)
        %dma_wait3A = tpu.memref_slice %arg2[%add3A_22] : memref<327680xi32, #tpu.memory_space<hbm>> -> memref<128xi32, #tpu.memory_space<hbm>>
        %dma_wait3A_24 = tpu.memref_slice %arg2[%add3A_22] : memref<327680xi32, #tpu.memory_space<hbm>> -> memref<128xi32, #tpu.memory_space<hbm>>
        tpu.wait_dma2 semaphore(%run_scoped3A : memref<!tpu.dma_semaphore, #tpu.memory_space<semaphore_mem>>) src(%dma_wait3A_24 : memref<128xi32, #tpu.memory_space<hbm>>) dst(%arg6 : memref<128xi32, #tpu.memory_space<vmem>>)
        tpu.yield
      }) : () -> ()
      "tpu.region"() ({
        %run_scoped3A = tpu.sem_alloc : memref<!tpu.dma_semaphore, #tpu.memory_space<semaphore_mem>>
        %dma_start3A = arith.constant 0 : i32
        %dma_start3A_23 = arith.constant 0 : i32
        %dma_start3A_24 = tpu.memref_slice %arg8[%dma_start3A, %dma_start3A_23] : memref<10240x128xf32, #tpu.memory_space<vmem_shared>> -> memref<10240x128xf32, #tpu.memory_space<vmem_shared>>
        tpu.enqueue_indirect_dma source(%arg7 : memref<128x128xf32, #tpu.memory_space<vmem>>) target(%dma_start3A_24 : memref<10240x128xf32, #tpu.memory_space<vmem_shared>>) offsets(%arg6 : memref<128xi32, #tpu.memory_space<vmem>>) semaphore(%run_scoped3A : memref<!tpu.dma_semaphore, #tpu.memory_space<semaphore_mem>>) {add = true}
        %dma_wait3A = arith.constant 0 : i32
        %dma_wait3A_25 = arith.constant 0 : i32
        %dma_wait3A_26 = tpu.memref_slice %arg8[%dma_wait3A, %dma_wait3A_25] : memref<10240x128xf32, #tpu.memory_space<vmem_shared>> -> memref<10240x128xf32, #tpu.memory_space<vmem_shared>>
        tpu.wait_indirect_dma semaphore(%run_scoped3A : memref<!tpu.dma_semaphore, #tpu.memory_space<semaphore_mem>>) src(%arg7 : memref<128x128xf32, #tpu.memory_space<vmem>>) dst(%dma_wait3A_26 : memref<10240x128xf32, #tpu.memory_space<vmem_shared>>)
        tpu.yield
      }) : () -> ()
    }
    %scan3A_6 = arith.constant 80 : i32
    %barrier3A_7 = arith.constant 0 : index
    tpu.barrier barrier_id(%barrier3A_7)
    %scan3A_8 = arith.constant 0 : i32
    %scan3A_9 = arith.constant 5 : i32
    %scan3A_10 = arith.addi %scan3A_8, %scan3A_9 : i32
    %scan3A_11 = arith.constant 1 : i32
    scf.for %scan3A_13 = %scan3A_8 to %scan3A_10 step %scan3A_11  : i32 {
      %mul3A_14 = arith.constant 128 : i32
      %mul3A_15 = arith.muli %scan3A_13, %mul3A_14 : i32
      %add3A_16 = arith.constant 0 : i32
      %add3A_17 = arith.addi %add3A_16, %mul3A_15 : i32
      %mul3A_18 = arith.constant 640 : i32
      %mul3A_19 = arith.muli %arg1, %mul3A_18 : i32
      %add3A_20 = arith.addi %mul3A_19, %add3A_17 : i32
      %mul3A_21 = arith.constant 10240 : i32
      %mul3A_22 = arith.muli %arg0, %mul3A_21 : i32
      %add3A_23 = arith.addi %mul3A_22, %add3A_20 : i32
      "tpu.region"() ({
        %run_scoped3A = tpu.sem_alloc : memref<!tpu.dma_semaphore, #tpu.memory_space<semaphore_mem>>
        %dma_start3A = arith.constant 0 : i32
        %dma_start3A_24 = tpu.memref_slice %arg5[%add3A_23, %dma_start3A] : memref<20480x128xf32, #tpu.memory_space<hbm>> -> memref<128x128xf32, #tpu.memory_space<hbm>>
        %dma_start3A_25 = arith.constant 0 : i32
        %dma_start3A_26 = tpu.memref_slice %arg8[%add3A_20, %dma_start3A_25] : memref<10240x128xf32, #tpu.memory_space<vmem_shared>> -> memref<128x128xf32, #tpu.memory_space<vmem_shared>>
        tpu.enqueue_dma source(%dma_start3A_26 : memref<128x128xf32, #tpu.memory_space<vmem_shared>>) target(%dma_start3A_24 : memref<128x128xf32, #tpu.memory_space<hbm>>) target_semaphore(%run_scoped3A : memref<!tpu.dma_semaphore, #tpu.memory_space<semaphore_mem>>)
        %dma_wait3A = arith.constant 0 : i32
        %dma_wait3A_27 = tpu.memref_slice %arg5[%add3A_23, %dma_wait3A] : memref<20480x128xf32, #tpu.memory_space<hbm>> -> memref<128x128xf32, #tpu.memory_space<hbm>>
        %dma_wait3A_28 = arith.constant 0 : i32
        %dma_wait3A_29 = tpu.memref_slice %arg8[%add3A_20, %dma_wait3A_28] : memref<10240x128xf32, #tpu.memory_space<vmem_shared>> -> memref<128x128xf32, #tpu.memory_space<vmem_shared>>
        tpu.wait_dma2 semaphore(%run_scoped3A : memref<!tpu.dma_semaphore, #tpu.memory_space<semaphore_mem>>) src(%dma_wait3A_29 : memref<128x128xf32, #tpu.memory_space<vmem_shared>>) dst(%dma_wait3A_27 : memref<128x128xf32, #tpu.memory_space<hbm>>)
        tpu.yield
      }) : () -> ()
    }
    %scan3A_12 = arith.constant 5 : i32
    return
  }
}

#map = affine_map<(d0, d1) -> (0, 0)>
#map1 = affine_map<(d0, d1) -> (0)>
module attributes {stable_mosaic.version = 14 : i64} {
  func.func @k(%arg0: i32, %arg1: i32, %arg2: memref<10000x128xf32, #tpu.memory_space<hbm>>, %arg3: memref<327680xi32, #tpu.memory_space<hbm>>, %arg4: memref<327680xi32, #tpu.memory_space<hbm>>, %arg5: memref<640x128xf32, #tpu.memory_space<hbm>>, %arg6: memref<20480x128xf32, #tpu.memory_space<hbm>>, %arg7: memref<128xi32, #tpu.memory_space<vmem>>, %arg8: memref<128xi32, #tpu.memory_space<vmem>>, %arg9: memref<128xi32, #tpu.memory_space<vmem>>, %arg10: memref<128xi32, #tpu.memory_space<vmem>>, %arg11: memref<128x128xf32, #tpu.memory_space<vmem>>, %arg12: memref<128x128xf32, #tpu.memory_space<vmem>>, %arg13: memref<10240x128xf32, #tpu.memory_space<vmem_shared>>, %arg14: memref<!tpu.dma_semaphore, #tpu.memory_space<semaphore_mem>>, %arg15: memref<!tpu.dma_semaphore, #tpu.memory_space<semaphore_mem>>) attributes {dimension_semantics = [#tpu.dimension_semantics<core_parallel>, #tpu.dimension_semantics<subcore_parallel>], iteration_bounds = array<i64: 2, 16>, scalar_prefetch = 0 : i64, scratch_operands = 9 : i64, tpu.core_type = #tpu.core_type<sc_vector_subcore>, window_params = [{transform_indices = #map}, {transform_indices = #map1}, {transform_indices = #map1}, {transform_indices = #map}, {transform_indices = #map}]} {
    %mul3A = arith.constant 2 : i32
    %mul3A_0 = arith.muli %arg1, %mul3A : i32
    %add3A = arith.addi %mul3A_0, %arg0 : i32
    %mul3A_1 = arith.constant 640 : i32
    %mul3A_2 = arith.muli %arg1, %mul3A_1 : i32
    "tpu.region"() ({
      %run_scoped3A = tpu.sem_alloc : memref<!tpu.dma_semaphore, #tpu.memory_space<semaphore_mem>>
      %dma_start3A_39 = arith.constant 0 : i32
      %dma_start3A_40 = tpu.memref_slice %arg13[%mul3A_2, %dma_start3A_39] : memref<10240x128xf32, #tpu.memory_space<vmem_shared>> -> memref<640x128xf32, #tpu.memory_space<vmem_shared>>
      tpu.enqueue_dma source(%arg5 : memref<640x128xf32, #tpu.memory_space<hbm>>) target(%dma_start3A_40 : memref<640x128xf32, #tpu.memory_space<vmem_shared>>) target_semaphore(%run_scoped3A : memref<!tpu.dma_semaphore, #tpu.memory_space<semaphore_mem>>)
      %dma_wait3A_41 = arith.constant 0 : i32
      %dma_wait3A_42 = tpu.memref_slice %arg13[%mul3A_2, %dma_wait3A_41] : memref<10240x128xf32, #tpu.memory_space<vmem_shared>> -> memref<640x128xf32, #tpu.memory_space<vmem_shared>>
      tpu.wait_dma2 semaphore(%run_scoped3A : memref<!tpu.dma_semaphore, #tpu.memory_space<semaphore_mem>>) src(%arg5 : memref<640x128xf32, #tpu.memory_space<hbm>>) dst(%dma_wait3A_42 : memref<640x128xf32, #tpu.memory_space<vmem_shared>>)
      tpu.yield
    }) : () -> ()
    %barrier3A = arith.constant 0 : index
    tpu.barrier barrier_id(%barrier3A)
    %mul3A_3 = arith.constant 10240 : i32
    %mul3A_4 = arith.muli %add3A, %mul3A_3 : i32
    %add3A_5 = arith.constant 0 : i32
    %add3A_6 = arith.addi %mul3A_4, %add3A_5 : i32
    "tpu.region"() ({
      %run_scoped3A = tpu.sem_alloc : memref<!tpu.dma_semaphore, #tpu.memory_space<semaphore_mem>>
      %dma_start3A_39 = tpu.memref_slice %arg3[%add3A_6] : memref<327680xi32, #tpu.memory_space<hbm>> -> memref<128xi32, #tpu.memory_space<hbm>>
      %dma_start3A_40 = tpu.memref_slice %arg3[%add3A_6] : memref<327680xi32, #tpu.memory_space<hbm>> -> memref<128xi32, #tpu.memory_space<hbm>>
      tpu.enqueue_dma source(%dma_start3A_40 : memref<128xi32, #tpu.memory_space<hbm>>) target(%arg7 : memref<128xi32, #tpu.memory_space<vmem>>) target_semaphore(%run_scoped3A : memref<!tpu.dma_semaphore, #tpu.memory_space<semaphore_mem>>)
      %dma_wait3A_41 = tpu.memref_slice %arg3[%add3A_6] : memref<327680xi32, #tpu.memory_space<hbm>> -> memref<128xi32, #tpu.memory_space<hbm>>
      %dma_wait3A_42 = tpu.memref_slice %arg3[%add3A_6] : memref<327680xi32, #tpu.memory_space<hbm>> -> memref<128xi32, #tpu.memory_space<hbm>>
      tpu.wait_dma2 semaphore(%run_scoped3A : memref<!tpu.dma_semaphore, #tpu.memory_space<semaphore_mem>>) src(%dma_wait3A_42 : memref<128xi32, #tpu.memory_space<hbm>>) dst(%arg7 : memref<128xi32, #tpu.memory_space<vmem>>)
      tpu.yield
    }) : () -> ()
    %dma_start3A = arith.constant 0 : i32
    %dma_start3A_7 = arith.constant 0 : i32
    %dma_start3A_8 = tpu.memref_slice %arg2[%dma_start3A, %dma_start3A_7] : memref<10000x128xf32, #tpu.memory_space<hbm>> -> memref<10000x128xf32, #tpu.memory_space<hbm>>
    tpu.enqueue_indirect_dma source(%dma_start3A_8 : memref<10000x128xf32, #tpu.memory_space<hbm>>) target(%arg11 : memref<128x128xf32, #tpu.memory_space<vmem>>) offsets(%arg7 : memref<128xi32, #tpu.memory_space<vmem>>) semaphore(%arg14 : memref<!tpu.dma_semaphore, #tpu.memory_space<semaphore_mem>>)
    %mul3A_9 = arith.constant 10240 : i32
    %mul3A_10 = arith.muli %add3A, %mul3A_9 : i32
    %add3A_11 = arith.constant 128 : i32
    %add3A_12 = arith.addi %mul3A_10, %add3A_11 : i32
    "tpu.region"() ({
      %run_scoped3A = tpu.sem_alloc : memref<!tpu.dma_semaphore, #tpu.memory_space<semaphore_mem>>
      %dma_start3A_39 = tpu.memref_slice %arg3[%add3A_12] : memref<327680xi32, #tpu.memory_space<hbm>> -> memref<128xi32, #tpu.memory_space<hbm>>
      %dma_start3A_40 = tpu.memref_slice %arg3[%add3A_12] : memref<327680xi32, #tpu.memory_space<hbm>> -> memref<128xi32, #tpu.memory_space<hbm>>
      tpu.enqueue_dma source(%dma_start3A_40 : memref<128xi32, #tpu.memory_space<hbm>>) target(%arg8 : memref<128xi32, #tpu.memory_space<vmem>>) target_semaphore(%run_scoped3A : memref<!tpu.dma_semaphore, #tpu.memory_space<semaphore_mem>>)
      %dma_wait3A_41 = tpu.memref_slice %arg3[%add3A_12] : memref<327680xi32, #tpu.memory_space<hbm>> -> memref<128xi32, #tpu.memory_space<hbm>>
      %dma_wait3A_42 = tpu.memref_slice %arg3[%add3A_12] : memref<327680xi32, #tpu.memory_space<hbm>> -> memref<128xi32, #tpu.memory_space<hbm>>
      tpu.wait_dma2 semaphore(%run_scoped3A : memref<!tpu.dma_semaphore, #tpu.memory_space<semaphore_mem>>) src(%dma_wait3A_42 : memref<128xi32, #tpu.memory_space<hbm>>) dst(%arg8 : memref<128xi32, #tpu.memory_space<vmem>>)
      tpu.yield
    }) : () -> ()
    %dma_start3A_13 = arith.constant 0 : i32
    %dma_start3A_14 = arith.constant 0 : i32
    %dma_start3A_15 = tpu.memref_slice %arg2[%dma_start3A_13, %dma_start3A_14] : memref<10000x128xf32, #tpu.memory_space<hbm>> -> memref<10000x128xf32, #tpu.memory_space<hbm>>
    tpu.enqueue_indirect_dma source(%dma_start3A_15 : memref<10000x128xf32, #tpu.memory_space<hbm>>) target(%arg12 : memref<128x128xf32, #tpu.memory_space<vmem>>) offsets(%arg8 : memref<128xi32, #tpu.memory_space<vmem>>) semaphore(%arg15 : memref<!tpu.dma_semaphore, #tpu.memory_space<semaphore_mem>>)
    %scan3A = arith.constant 0 : i32
    %scan3A_16 = arith.constant 39 : i32
    %scan3A_17 = arith.addi %scan3A, %scan3A_16 : i32
    %scan3A_18 = arith.constant 1 : i32
    scf.for %scan3A_39 = %scan3A to %scan3A_17 step %scan3A_18  : i32 {
      %mul3A_40 = arith.constant 2 : i32
      %mul3A_41 = arith.muli %scan3A_39, %mul3A_40 : i32
      %add3A_42 = arith.constant 0 : i32
      %add3A_43 = arith.addi %add3A_42, %mul3A_41 : i32
      %dma_wait3A_44 = arith.constant 0 : i32
      %dma_wait3A_45 = arith.constant 0 : i32
      %dma_wait3A_46 = tpu.memref_slice %arg2[%dma_wait3A_44, %dma_wait3A_45] : memref<10000x128xf32, #tpu.memory_space<hbm>> -> memref<10000x128xf32, #tpu.memory_space<hbm>>
      tpu.wait_indirect_dma semaphore(%arg14 : memref<!tpu.dma_semaphore, #tpu.memory_space<semaphore_mem>>) src(%dma_wait3A_46 : memref<10000x128xf32, #tpu.memory_space<hbm>>) dst(%arg11 : memref<128x128xf32, #tpu.memory_space<vmem>>)
      %mul3A_47 = arith.constant 10240 : i32
      %mul3A_48 = arith.muli %add3A, %mul3A_47 : i32
      %mul3A_49 = arith.constant 128 : i32
      %mul3A_50 = arith.muli %add3A_43, %mul3A_49 : i32
      %add3A_51 = arith.addi %mul3A_48, %mul3A_50 : i32
      "tpu.region"() ({
        %run_scoped3A = tpu.sem_alloc : memref<!tpu.dma_semaphore, #tpu.memory_space<semaphore_mem>>
        %dma_start3A_82 = tpu.memref_slice %arg4[%add3A_51] : memref<327680xi32, #tpu.memory_space<hbm>> -> memref<128xi32, #tpu.memory_space<hbm>>
        %dma_start3A_83 = tpu.memref_slice %arg4[%add3A_51] : memref<327680xi32, #tpu.memory_space<hbm>> -> memref<128xi32, #tpu.memory_space<hbm>>
        tpu.enqueue_dma source(%dma_start3A_83 : memref<128xi32, #tpu.memory_space<hbm>>) target(%arg9 : memref<128xi32, #tpu.memory_space<vmem>>) target_semaphore(%run_scoped3A : memref<!tpu.dma_semaphore, #tpu.memory_space<semaphore_mem>>)
        %dma_wait3A_84 = tpu.memref_slice %arg4[%add3A_51] : memref<327680xi32, #tpu.memory_space<hbm>> -> memref<128xi32, #tpu.memory_space<hbm>>
        %dma_wait3A_85 = tpu.memref_slice %arg4[%add3A_51] : memref<327680xi32, #tpu.memory_space<hbm>> -> memref<128xi32, #tpu.memory_space<hbm>>
        tpu.wait_dma2 semaphore(%run_scoped3A : memref<!tpu.dma_semaphore, #tpu.memory_space<semaphore_mem>>) src(%dma_wait3A_85 : memref<128xi32, #tpu.memory_space<hbm>>) dst(%arg9 : memref<128xi32, #tpu.memory_space<vmem>>)
        tpu.yield
      }) : () -> ()
      "tpu.region"() ({
        %run_scoped3A = tpu.sem_alloc : memref<!tpu.dma_semaphore, #tpu.memory_space<semaphore_mem>>
        %dma_start3A_82 = arith.constant 0 : i32
        %dma_start3A_83 = arith.constant 0 : i32
        %dma_start3A_84 = tpu.memref_slice %arg13[%dma_start3A_82, %dma_start3A_83] : memref<10240x128xf32, #tpu.memory_space<vmem_shared>> -> memref<10240x128xf32, #tpu.memory_space<vmem_shared>>
        tpu.enqueue_indirect_dma source(%arg11 : memref<128x128xf32, #tpu.memory_space<vmem>>) target(%dma_start3A_84 : memref<10240x128xf32, #tpu.memory_space<vmem_shared>>) offsets(%arg9 : memref<128xi32, #tpu.memory_space<vmem>>) semaphore(%run_scoped3A : memref<!tpu.dma_semaphore, #tpu.memory_space<semaphore_mem>>) {add = true}
        %dma_wait3A_85 = arith.constant 0 : i32
        %dma_wait3A_86 = arith.constant 0 : i32
        %dma_wait3A_87 = tpu.memref_slice %arg13[%dma_wait3A_85, %dma_wait3A_86] : memref<10240x128xf32, #tpu.memory_space<vmem_shared>> -> memref<10240x128xf32, #tpu.memory_space<vmem_shared>>
        tpu.wait_indirect_dma semaphore(%run_scoped3A : memref<!tpu.dma_semaphore, #tpu.memory_space<semaphore_mem>>) src(%arg11 : memref<128x128xf32, #tpu.memory_space<vmem>>) dst(%dma_wait3A_87 : memref<10240x128xf32, #tpu.memory_space<vmem_shared>>)
        tpu.yield
      }) : () -> ()
      %add3A_52 = arith.constant 2 : i32
      %add3A_53 = arith.addi %add3A_43, %add3A_52 : i32
      %mul3A_54 = arith.constant 10240 : i32
      %mul3A_55 = arith.muli %add3A, %mul3A_54 : i32
      %mul3A_56 = arith.constant 128 : i32
      %mul3A_57 = arith.muli %add3A_53, %mul3A_56 : i32
      %add3A_58 = arith.addi %mul3A_55, %mul3A_57 : i32
      "tpu.region"() ({
        %run_scoped3A = tpu.sem_alloc : memref<!tpu.dma_semaphore, #tpu.memory_space<semaphore_mem>>
        %dma_start3A_82 = tpu.memref_slice %arg3[%add3A_58] : memref<327680xi32, #tpu.memory_space<hbm>> -> memref<128xi32, #tpu.memory_space<hbm>>
        %dma_start3A_83 = tpu.memref_slice %arg3[%add3A_58] : memref<327680xi32, #tpu.memory_space<hbm>> -> memref<128xi32, #tpu.memory_space<hbm>>
        tpu.enqueue_dma source(%dma_start3A_83 : memref<128xi32, #tpu.memory_space<hbm>>) target(%arg7 : memref<128xi32, #tpu.memory_space<vmem>>) target_semaphore(%run_scoped3A : memref<!tpu.dma_semaphore, #tpu.memory_space<semaphore_mem>>)
        %dma_wait3A_84 = tpu.memref_slice %arg3[%add3A_58] : memref<327680xi32, #tpu.memory_space<hbm>> -> memref<128xi32, #tpu.memory_space<hbm>>
        %dma_wait3A_85 = tpu.memref_slice %arg3[%add3A_58] : memref<327680xi32, #tpu.memory_space<hbm>> -> memref<128xi32, #tpu.memory_space<hbm>>
        tpu.wait_dma2 semaphore(%run_scoped3A : memref<!tpu.dma_semaphore, #tpu.memory_space<semaphore_mem>>) src(%dma_wait3A_85 : memref<128xi32, #tpu.memory_space<hbm>>) dst(%arg7 : memref<128xi32, #tpu.memory_space<vmem>>)
        tpu.yield
      }) : () -> ()
      %dma_start3A_59 = arith.constant 0 : i32
      %dma_start3A_60 = arith.constant 0 : i32
      %dma_start3A_61 = tpu.memref_slice %arg2[%dma_start3A_59, %dma_start3A_60] : memref<10000x128xf32, #tpu.memory_space<hbm>> -> memref<10000x128xf32, #tpu.memory_space<hbm>>
      tpu.enqueue_indirect_dma source(%dma_start3A_61 : memref<10000x128xf32, #tpu.memory_space<hbm>>) target(%arg11 : memref<128x128xf32, #tpu.memory_space<vmem>>) offsets(%arg7 : memref<128xi32, #tpu.memory_space<vmem>>) semaphore(%arg14 : memref<!tpu.dma_semaphore, #tpu.memory_space<semaphore_mem>>)
      %dma_wait3A_62 = arith.constant 0 : i32
      %dma_wait3A_63 = arith.constant 0 : i32
      %dma_wait3A_64 = tpu.memref_slice %arg2[%dma_wait3A_62, %dma_wait3A_63] : memref<10000x128xf32, #tpu.memory_space<hbm>> -> memref<10000x128xf32, #tpu.memory_space<hbm>>
      tpu.wait_indirect_dma semaphore(%arg15 : memref<!tpu.dma_semaphore, #tpu.memory_space<semaphore_mem>>) src(%dma_wait3A_64 : memref<10000x128xf32, #tpu.memory_space<hbm>>) dst(%arg12 : memref<128x128xf32, #tpu.memory_space<vmem>>)
      %add3A_65 = arith.constant 1 : i32
      %add3A_66 = arith.addi %add3A_43, %add3A_65 : i32
      %mul3A_67 = arith.constant 10240 : i32
      %mul3A_68 = arith.muli %add3A, %mul3A_67 : i32
      %mul3A_69 = arith.constant 128 : i32
      %mul3A_70 = arith.muli %add3A_66, %mul3A_69 : i32
      %add3A_71 = arith.addi %mul3A_68, %mul3A_70 : i32
      "tpu.region"() ({
        %run_scoped3A = tpu.sem_alloc : memref<!tpu.dma_semaphore, #tpu.memory_space<semaphore_mem>>
        %dma_start3A_82 = tpu.memref_slice %arg4[%add3A_71] : memref<327680xi32, #tpu.memory_space<hbm>> -> memref<128xi32, #tpu.memory_space<hbm>>
        %dma_start3A_83 = tpu.memref_slice %arg4[%add3A_71] : memref<327680xi32, #tpu.memory_space<hbm>> -> memref<128xi32, #tpu.memory_space<hbm>>
        tpu.enqueue_dma source(%dma_start3A_83 : memref<128xi32, #tpu.memory_space<hbm>>) target(%arg10 : memref<128xi32, #tpu.memory_space<vmem>>) target_semaphore(%run_scoped3A : memref<!tpu.dma_semaphore, #tpu.memory_space<semaphore_mem>>)
        %dma_wait3A_84 = tpu.memref_slice %arg4[%add3A_71] : memref<327680xi32, #tpu.memory_space<hbm>> -> memref<128xi32, #tpu.memory_space<hbm>>
        %dma_wait3A_85 = tpu.memref_slice %arg4[%add3A_71] : memref<327680xi32, #tpu.memory_space<hbm>> -> memref<128xi32, #tpu.memory_space<hbm>>
        tpu.wait_dma2 semaphore(%run_scoped3A : memref<!tpu.dma_semaphore, #tpu.memory_space<semaphore_mem>>) src(%dma_wait3A_85 : memref<128xi32, #tpu.memory_space<hbm>>) dst(%arg10 : memref<128xi32, #tpu.memory_space<vmem>>)
        tpu.yield
      }) : () -> ()
      "tpu.region"() ({
        %run_scoped3A = tpu.sem_alloc : memref<!tpu.dma_semaphore, #tpu.memory_space<semaphore_mem>>
        %dma_start3A_82 = arith.constant 0 : i32
        %dma_start3A_83 = arith.constant 0 : i32
        %dma_start3A_84 = tpu.memref_slice %arg13[%dma_start3A_82, %dma_start3A_83] : memref<10240x128xf32, #tpu.memory_space<vmem_shared>> -> memref<10240x128xf32, #tpu.memory_space<vmem_shared>>
        tpu.enqueue_indirect_dma source(%arg12 : memref<128x128xf32, #tpu.memory_space<vmem>>) target(%dma_start3A_84 : memref<10240x128xf32, #tpu.memory_space<vmem_shared>>) offsets(%arg10 : memref<128xi32, #tpu.memory_space<vmem>>) semaphore(%run_scoped3A : memref<!tpu.dma_semaphore, #tpu.memory_space<semaphore_mem>>) {add = true}
        %dma_wait3A_85 = arith.constant 0 : i32
        %dma_wait3A_86 = arith.constant 0 : i32
        %dma_wait3A_87 = tpu.memref_slice %arg13[%dma_wait3A_85, %dma_wait3A_86] : memref<10240x128xf32, #tpu.memory_space<vmem_shared>> -> memref<10240x128xf32, #tpu.memory_space<vmem_shared>>
        tpu.wait_indirect_dma semaphore(%run_scoped3A : memref<!tpu.dma_semaphore, #tpu.memory_space<semaphore_mem>>) src(%arg12 : memref<128x128xf32, #tpu.memory_space<vmem>>) dst(%dma_wait3A_87 : memref<10240x128xf32, #tpu.memory_space<vmem_shared>>)
        tpu.yield
      }) : () -> ()
      %add3A_72 = arith.constant 3 : i32
      %add3A_73 = arith.addi %add3A_43, %add3A_72 : i32
      %mul3A_74 = arith.constant 10240 : i32
      %mul3A_75 = arith.muli %add3A, %mul3A_74 : i32
      %mul3A_76 = arith.constant 128 : i32
      %mul3A_77 = arith.muli %add3A_73, %mul3A_76 : i32
      %add3A_78 = arith.addi %mul3A_75, %mul3A_77 : i32
      "tpu.region"() ({
        %run_scoped3A = tpu.sem_alloc : memref<!tpu.dma_semaphore, #tpu.memory_space<semaphore_mem>>
        %dma_start3A_82 = tpu.memref_slice %arg3[%add3A_78] : memref<327680xi32, #tpu.memory_space<hbm>> -> memref<128xi32, #tpu.memory_space<hbm>>
        %dma_start3A_83 = tpu.memref_slice %arg3[%add3A_78] : memref<327680xi32, #tpu.memory_space<hbm>> -> memref<128xi32, #tpu.memory_space<hbm>>
        tpu.enqueue_dma source(%dma_start3A_83 : memref<128xi32, #tpu.memory_space<hbm>>) target(%arg8 : memref<128xi32, #tpu.memory_space<vmem>>) target_semaphore(%run_scoped3A : memref<!tpu.dma_semaphore, #tpu.memory_space<semaphore_mem>>)
        %dma_wait3A_84 = tpu.memref_slice %arg3[%add3A_78] : memref<327680xi32, #tpu.memory_space<hbm>> -> memref<128xi32, #tpu.memory_space<hbm>>
        %dma_wait3A_85 = tpu.memref_slice %arg3[%add3A_78] : memref<327680xi32, #tpu.memory_space<hbm>> -> memref<128xi32, #tpu.memory_space<hbm>>
        tpu.wait_dma2 semaphore(%run_scoped3A : memref<!tpu.dma_semaphore, #tpu.memory_space<semaphore_mem>>) src(%dma_wait3A_85 : memref<128xi32, #tpu.memory_space<hbm>>) dst(%arg8 : memref<128xi32, #tpu.memory_space<vmem>>)
        tpu.yield
      }) : () -> ()
      %dma_start3A_79 = arith.constant 0 : i32
      %dma_start3A_80 = arith.constant 0 : i32
      %dma_start3A_81 = tpu.memref_slice %arg2[%dma_start3A_79, %dma_start3A_80] : memref<10000x128xf32, #tpu.memory_space<hbm>> -> memref<10000x128xf32, #tpu.memory_space<hbm>>
      tpu.enqueue_indirect_dma source(%dma_start3A_81 : memref<10000x128xf32, #tpu.memory_space<hbm>>) target(%arg12 : memref<128x128xf32, #tpu.memory_space<vmem>>) offsets(%arg8 : memref<128xi32, #tpu.memory_space<vmem>>) semaphore(%arg15 : memref<!tpu.dma_semaphore, #tpu.memory_space<semaphore_mem>>)
    }
    %scan3A_19 = arith.constant 39 : i32
    %dma_wait3A = arith.constant 0 : i32
    %dma_wait3A_20 = arith.constant 0 : i32
    %dma_wait3A_21 = tpu.memref_slice %arg2[%dma_wait3A, %dma_wait3A_20] : memref<10000x128xf32, #tpu.memory_space<hbm>> -> memref<10000x128xf32, #tpu.memory_space<hbm>>
    tpu.wait_indirect_dma semaphore(%arg14 : memref<!tpu.dma_semaphore, #tpu.memory_space<semaphore_mem>>) src(%dma_wait3A_21 : memref<10000x128xf32, #tpu.memory_space<hbm>>) dst(%arg11 : memref<128x128xf32, #tpu.memory_space<vmem>>)
    %mul3A_22 = arith.constant 10240 : i32
    %mul3A_23 = arith.muli %add3A, %mul3A_22 : i32
    %add3A_24 = arith.constant 9984 : i32
    %add3A_25 = arith.addi %mul3A_23, %add3A_24 : i32
    "tpu.region"() ({
      %run_scoped3A = tpu.sem_alloc : memref<!tpu.dma_semaphore, #tpu.memory_space<semaphore_mem>>
      %dma_start3A_39 = tpu.memref_slice %arg4[%add3A_25] : memref<327680xi32, #tpu.memory_space<hbm>> -> memref<128xi32, #tpu.memory_space<hbm>>
      %dma_start3A_40 = tpu.memref_slice %arg4[%add3A_25] : memref<327680xi32, #tpu.memory_space<hbm>> -> memref<128xi32, #tpu.memory_space<hbm>>
      tpu.enqueue_dma source(%dma_start3A_40 : memref<128xi32, #tpu.memory_space<hbm>>) target(%arg9 : memref<128xi32, #tpu.memory_space<vmem>>) target_semaphore(%run_scoped3A : memref<!tpu.dma_semaphore, #tpu.memory_space<semaphore_mem>>)
      %dma_wait3A_41 = tpu.memref_slice %arg4[%add3A_25] : memref<327680xi32, #tpu.memory_space<hbm>> -> memref<128xi32, #tpu.memory_space<hbm>>
      %dma_wait3A_42 = tpu.memref_slice %arg4[%add3A_25] : memref<327680xi32, #tpu.memory_space<hbm>> -> memref<128xi32, #tpu.memory_space<hbm>>
      tpu.wait_dma2 semaphore(%run_scoped3A : memref<!tpu.dma_semaphore, #tpu.memory_space<semaphore_mem>>) src(%dma_wait3A_42 : memref<128xi32, #tpu.memory_space<hbm>>) dst(%arg9 : memref<128xi32, #tpu.memory_space<vmem>>)
      tpu.yield
    }) : () -> ()
    "tpu.region"() ({
      %run_scoped3A = tpu.sem_alloc : memref<!tpu.dma_semaphore, #tpu.memory_space<semaphore_mem>>
      %dma_start3A_39 = arith.constant 0 : i32
      %dma_start3A_40 = arith.constant 0 : i32
      %dma_start3A_41 = tpu.memref_slice %arg13[%dma_start3A_39, %dma_start3A_40] : memref<10240x128xf32, #tpu.memory_space<vmem_shared>> -> memref<10240x128xf32, #tpu.memory_space<vmem_shared>>
      tpu.enqueue_indirect_dma source(%arg11 : memref<128x128xf32, #tpu.memory_space<vmem>>) target(%dma_start3A_41 : memref<10240x128xf32, #tpu.memory_space<vmem_shared>>) offsets(%arg9 : memref<128xi32, #tpu.memory_space<vmem>>) semaphore(%run_scoped3A : memref<!tpu.dma_semaphore, #tpu.memory_space<semaphore_mem>>) {add = true}
      %dma_wait3A_42 = arith.constant 0 : i32
      %dma_wait3A_43 = arith.constant 0 : i32
      %dma_wait3A_44 = tpu.memref_slice %arg13[%dma_wait3A_42, %dma_wait3A_43] : memref<10240x128xf32, #tpu.memory_space<vmem_shared>> -> memref<10240x128xf32, #tpu.memory_space<vmem_shared>>
      tpu.wait_indirect_dma semaphore(%run_scoped3A : memref<!tpu.dma_semaphore, #tpu.memory_space<semaphore_mem>>) src(%arg11 : memref<128x128xf32, #tpu.memory_space<vmem>>) dst(%dma_wait3A_44 : memref<10240x128xf32, #tpu.memory_space<vmem_shared>>)
      tpu.yield
    }) : () -> ()
    %dma_wait3A_26 = arith.constant 0 : i32
    %dma_wait3A_27 = arith.constant 0 : i32
    %dma_wait3A_28 = tpu.memref_slice %arg2[%dma_wait3A_26, %dma_wait3A_27] : memref<10000x128xf32, #tpu.memory_space<hbm>> -> memref<10000x128xf32, #tpu.memory_space<hbm>>
    tpu.wait_indirect_dma semaphore(%arg15 : memref<!tpu.dma_semaphore, #tpu.memory_space<semaphore_mem>>) src(%dma_wait3A_28 : memref<10000x128xf32, #tpu.memory_space<hbm>>) dst(%arg12 : memref<128x128xf32, #tpu.memory_space<vmem>>)
    %mul3A_29 = arith.constant 10240 : i32
    %mul3A_30 = arith.muli %add3A, %mul3A_29 : i32
    %add3A_31 = arith.constant 10112 : i32
    %add3A_32 = arith.addi %mul3A_30, %add3A_31 : i32
    "tpu.region"() ({
      %run_scoped3A = tpu.sem_alloc : memref<!tpu.dma_semaphore, #tpu.memory_space<semaphore_mem>>
      %dma_start3A_39 = tpu.memref_slice %arg4[%add3A_32] : memref<327680xi32, #tpu.memory_space<hbm>> -> memref<128xi32, #tpu.memory_space<hbm>>
      %dma_start3A_40 = tpu.memref_slice %arg4[%add3A_32] : memref<327680xi32, #tpu.memory_space<hbm>> -> memref<128xi32, #tpu.memory_space<hbm>>
      tpu.enqueue_dma source(%dma_start3A_40 : memref<128xi32, #tpu.memory_space<hbm>>) target(%arg10 : memref<128xi32, #tpu.memory_space<vmem>>) target_semaphore(%run_scoped3A : memref<!tpu.dma_semaphore, #tpu.memory_space<semaphore_mem>>)
      %dma_wait3A_41 = tpu.memref_slice %arg4[%add3A_32] : memref<327680xi32, #tpu.memory_space<hbm>> -> memref<128xi32, #tpu.memory_space<hbm>>
      %dma_wait3A_42 = tpu.memref_slice %arg4[%add3A_32] : memref<327680xi32, #tpu.memory_space<hbm>> -> memref<128xi32, #tpu.memory_space<hbm>>
      tpu.wait_dma2 semaphore(%run_scoped3A : memref<!tpu.dma_semaphore, #tpu.memory_space<semaphore_mem>>) src(%dma_wait3A_42 : memref<128xi32, #tpu.memory_space<hbm>>) dst(%arg10 : memref<128xi32, #tpu.memory_space<vmem>>)
      tpu.yield
    }) : () -> ()
    "tpu.region"() ({
      %run_scoped3A = tpu.sem_alloc : memref<!tpu.dma_semaphore, #tpu.memory_space<semaphore_mem>>
      %dma_start3A_39 = arith.constant 0 : i32
      %dma_start3A_40 = arith.constant 0 : i32
      %dma_start3A_41 = tpu.memref_slice %arg13[%dma_start3A_39, %dma_start3A_40] : memref<10240x128xf32, #tpu.memory_space<vmem_shared>> -> memref<10240x128xf32, #tpu.memory_space<vmem_shared>>
      tpu.enqueue_indirect_dma source(%arg12 : memref<128x128xf32, #tpu.memory_space<vmem>>) target(%dma_start3A_41 : memref<10240x128xf32, #tpu.memory_space<vmem_shared>>) offsets(%arg10 : memref<128xi32, #tpu.memory_space<vmem>>) semaphore(%run_scoped3A : memref<!tpu.dma_semaphore, #tpu.memory_space<semaphore_mem>>) {add = true}
      %dma_wait3A_42 = arith.constant 0 : i32
      %dma_wait3A_43 = arith.constant 0 : i32
      %dma_wait3A_44 = tpu.memref_slice %arg13[%dma_wait3A_42, %dma_wait3A_43] : memref<10240x128xf32, #tpu.memory_space<vmem_shared>> -> memref<10240x128xf32, #tpu.memory_space<vmem_shared>>
      tpu.wait_indirect_dma semaphore(%run_scoped3A : memref<!tpu.dma_semaphore, #tpu.memory_space<semaphore_mem>>) src(%arg12 : memref<128x128xf32, #tpu.memory_space<vmem>>) dst(%dma_wait3A_44 : memref<10240x128xf32, #tpu.memory_space<vmem_shared>>)
      tpu.yield
    }) : () -> ()
    %barrier3A_33 = arith.constant 0 : index
    tpu.barrier barrier_id(%barrier3A_33)
    %scan3A_34 = arith.constant 0 : i32
    %scan3A_35 = arith.constant 5 : i32
    %scan3A_36 = arith.addi %scan3A_34, %scan3A_35 : i32
    %scan3A_37 = arith.constant 1 : i32
    scf.for %scan3A_39 = %scan3A_34 to %scan3A_36 step %scan3A_37  : i32 {
      %mul3A_40 = arith.constant 128 : i32
      %mul3A_41 = arith.muli %scan3A_39, %mul3A_40 : i32
      %add3A_42 = arith.constant 0 : i32
      %add3A_43 = arith.addi %add3A_42, %mul3A_41 : i32
      %mul3A_44 = arith.constant 640 : i32
      %mul3A_45 = arith.muli %arg1, %mul3A_44 : i32
      %add3A_46 = arith.addi %mul3A_45, %add3A_43 : i32
      %mul3A_47 = arith.constant 10240 : i32
      %mul3A_48 = arith.muli %arg0, %mul3A_47 : i32
      %add3A_49 = arith.addi %mul3A_48, %add3A_46 : i32
      "tpu.region"() ({
        %run_scoped3A = tpu.sem_alloc : memref<!tpu.dma_semaphore, #tpu.memory_space<semaphore_mem>>
        %dma_start3A_50 = arith.constant 0 : i32
        %dma_start3A_51 = tpu.memref_slice %arg6[%add3A_49, %dma_start3A_50] : memref<20480x128xf32, #tpu.memory_space<hbm>> -> memref<128x128xf32, #tpu.memory_space<hbm>>
        %dma_start3A_52 = arith.constant 0 : i32
        %dma_start3A_53 = tpu.memref_slice %arg13[%add3A_46, %dma_start3A_52] : memref<10240x128xf32, #tpu.memory_space<vmem_shared>> -> memref<128x128xf32, #tpu.memory_space<vmem_shared>>
        tpu.enqueue_dma source(%dma_start3A_53 : memref<128x128xf32, #tpu.memory_space<vmem_shared>>) target(%dma_start3A_51 : memref<128x128xf32, #tpu.memory_space<hbm>>) target_semaphore(%run_scoped3A : memref<!tpu.dma_semaphore, #tpu.memory_space<semaphore_mem>>)
        %dma_wait3A_54 = arith.constant 0 : i32
        %dma_wait3A_55 = tpu.memref_slice %arg6[%add3A_49, %dma_wait3A_54] : memref<20480x128xf32, #tpu.memory_space<hbm>> -> memref<128x128xf32, #tpu.memory_space<hbm>>
        %dma_wait3A_56 = arith.constant 0 : i32
        %dma_wait3A_57 = tpu.memref_slice %arg13[%add3A_46, %dma_wait3A_56] : memref<10240x128xf32, #tpu.memory_space<vmem_shared>> -> memref<128x128xf32, #tpu.memory_space<vmem_shared>>
        tpu.wait_dma2 semaphore(%run_scoped3A : memref<!tpu.dma_semaphore, #tpu.memory_space<semaphore_mem>>) src(%dma_wait3A_57 : memref<128x128xf32, #tpu.memory_space<vmem_shared>>) dst(%dma_wait3A_55 : memref<128x128xf32, #tpu.memory_space<hbm>>)
        tpu.yield
      }) : () -> ()
    }
    %scan3A_38 = arith.constant 5 : i32
    return
  }
}

module attributes {stable_mosaic.version = 14 : i64} {
  func.func @body(%arg0: memref<10000x128xf32, #tpu.memory_space<vmem>>, %arg1: memref<128x128xf32, #tpu.memory_space<vmem>>, %arg2: memref<10000x128xf32, #tpu.memory_space<vmem>>) attributes {dimension_semantics = [], scalar_prefetch = 0 : i64, scratch_operands = 0 : i64, tpu.core_type = #tpu.core_type<tc>} {
    %get3A = arith.constant 0 : index
    %get3A_0 = arith.constant 0 : index
    %get3A_1 = vector.load %arg0[%get3A, %get3A_0] : memref<10000x128xf32, #tpu.memory_space<vmem>>, vector<10000x128xf32>
    %get3A_2 = arith.constant 0 : index
    %get3A_3 = arith.constant 0 : index
    %get3A_4 = vector.load %arg1[%get3A_2, %get3A_3] : memref<128x128xf32, #tpu.memory_space<vmem>>, vector<128x128xf32>
    %dot_general3A = arith.constant dense<0.000000e+00> : vector<10000x128xf32>
    %dot_general3A_5 = tpu.matmul %get3A_1, %get3A_4, %dot_general3A {dimension_numbers = #tpu.dot_dimension_numbers<[1], [0], [0], [1], [0, 0, 1, 1], [], []>, transpose_lhs_hint = false} : vector<10000x128xf32>, vector<128x128xf32>, vector<10000x128xf32> -> vector<10000x128xf32>
    %swap3A = arith.constant 0 : index
    %swap3A_6 = arith.constant 0 : index
    %swap3A_7 = vector.load %arg2[%swap3A, %swap3A_6] : memref<10000x128xf32, #tpu.memory_space<vmem>>, vector<10000x128xf32>
    tpu.vector_store %arg2[%swap3A, %swap3A_6], %dot_general3A_5 {strides = array<i32>} : memref<10000x128xf32, #tpu.memory_space<vmem>>, vector<10000x128xf32>,
    return
  }
}

module attributes {stable_mosaic.version = 14 : i64} {
  func.func @body(%arg0: memref<20480x128xf32, #tpu.memory_space<vmem>>, %arg1: memref<10000x128xf32, #tpu.memory_space<vmem>>, %arg2: memref<10000x128xf32, #tpu.memory_space<vmem>>) attributes {dimension_semantics = [], scalar_prefetch = 0 : i64, scratch_operands = 0 : i64, tpu.core_type = #tpu.core_type<tc>} {
    %get3A = arith.constant 0 : index
    %get3A_0 = arith.constant 0 : index
    %get3A_1 = vector.load %arg1[%get3A, %get3A_0] : memref<10000x128xf32, #tpu.memory_space<vmem>>, vector<10000x128xf32>
    %get3A_2 = arith.constant 0 : index
    %get3A_3 = arith.constant 0 : index
    %get3A_4 = vector.load %arg0[%get3A_2, %get3A_3] : memref<20480x128xf32, #tpu.memory_space<vmem>>, vector<10000x1xf32>
    %get3A_5 = arith.constant 10240 : index
    %get3A_6 = arith.constant 0 : index
    %get3A_7 = vector.load %arg0[%get3A_5, %get3A_6] : memref<20480x128xf32, #tpu.memory_space<vmem>>, vector<10000x1xf32>
    %add3A = arith.addf %get3A_4, %get3A_7 : vector<10000x1xf32>
    %add3A_8 = arith.constant 1.000000e+00 : f32
    %add3A_9 = vector.broadcast %add3A_8 : f32 to vector<10000x1xf32>
    %add3A_10 = arith.addf %add3A, %add3A_9 : vector<10000x1xf32>
    %rsqrt3A = math.rsqrt %add3A_10 : vector<10000x1xf32>
    %mul3A = vector.broadcast %rsqrt3A : vector<10000x1xf32> to vector<10000x128xf32>
    %mul3A_11 = arith.mulf %get3A_1, %mul3A : vector<10000x128xf32>
    %swap3A = arith.constant 0 : index
    %swap3A_12 = arith.constant 0 : index
    %swap3A_13 = vector.load %arg2[%swap3A, %swap3A_12] : memref<10000x128xf32, #tpu.memory_space<vmem>>, vector<10000x128xf32>
    tpu.vector_store %arg2[%swap3A, %swap3A_12], %mul3A_11 {strides = array<i32>} : memref<10000x128xf32, #tpu.memory_space<vmem>>, vector<10000x128xf32>,
    return
  }
}

module attributes {stable_mosaic.version = 14 : i64} {
  func.func @body(%arg0: memref<20480x128xf32, #tpu.memory_space<vmem>>, %arg1: memref<10000x128xf32, #tpu.memory_space<vmem>>, %arg2: memref<20480x128xf32, #tpu.memory_space<vmem>>, %arg3: memref<1x128xf32, #tpu.memory_space<vmem>>, %arg4: memref<128x128xf32, #tpu.memory_space<vmem>>, %arg5: memref<10000x128xf32, #tpu.memory_space<vmem>>) attributes {dimension_semantics = [], scalar_prefetch = 0 : i64, scratch_operands = 0 : i64, tpu.core_type = #tpu.core_type<tc>} {
    %get3A = arith.constant 0 : index
    %get3A_0 = arith.constant 0 : index
    %get3A_1 = vector.load %arg2[%get3A, %get3A_0] : memref<20480x128xf32, #tpu.memory_space<vmem>>, vector<10000x1xf32>
    %get3A_2 = arith.constant 10240 : index
    %get3A_3 = arith.constant 0 : index
    %get3A_4 = vector.load %arg2[%get3A_2, %get3A_3] : memref<20480x128xf32, #tpu.memory_space<vmem>>, vector<10000x1xf32>
    %add3A = arith.addf %get3A_1, %get3A_4 : vector<10000x1xf32>
    %add3A_5 = arith.constant 1.000000e+00 : f32
    %add3A_6 = vector.broadcast %add3A_5 : f32 to vector<10000x1xf32>
    %add3A_7 = arith.addf %add3A, %add3A_6 : vector<10000x1xf32>
    %rsqrt3A = math.rsqrt %add3A_7 : vector<10000x1xf32>
    %get3A_8 = arith.constant 0 : index
    %get3A_9 = arith.constant 0 : index
    %get3A_10 = vector.load %arg0[%get3A_8, %get3A_9] : memref<20480x128xf32, #tpu.memory_space<vmem>>, vector<10000x128xf32>
    %get3A_11 = arith.constant 10240 : index
    %get3A_12 = arith.constant 0 : index
    %get3A_13 = vector.load %arg0[%get3A_11, %get3A_12] : memref<20480x128xf32, #tpu.memory_space<vmem>>, vector<10000x128xf32>
    %add3A_14 = arith.addf %get3A_10, %get3A_13 : vector<10000x128xf32>
    %get3A_15 = arith.constant 0 : index
    %get3A_16 = arith.constant 0 : index
    %get3A_17 = vector.load %arg1[%get3A_15, %get3A_16] : memref<10000x128xf32, #tpu.memory_space<vmem>>, vector<10000x128xf32>
    %add3A_18 = arith.addf %add3A_14, %get3A_17 : vector<10000x128xf32>
    %mul3A = vector.broadcast %rsqrt3A : vector<10000x1xf32> to vector<10000x128xf32>
    %mul3A_19 = arith.mulf %add3A_18, %mul3A : vector<10000x128xf32>
    %get3A_20 = arith.constant 0 : index
    %get3A_21 = arith.constant 0 : index
    %get3A_22 = vector.load %arg3[%get3A_20, %get3A_21] : memref<1x128xf32, #tpu.memory_space<vmem>>, vector<1x128xf32>
    %add3A_23 = vector.broadcast %get3A_22 : vector<1x128xf32> to vector<10000x128xf32>
    %add3A_24 = arith.addf %mul3A_19, %add3A_23 : vector<10000x128xf32>
    %max3A = arith.constant 0.000000e+00 : f32
    %max3A_25 = vector.broadcast %max3A : f32 to vector<10000x128xf32>
    %max3A_26 = arith.maximumf %add3A_24, %max3A_25 : vector<10000x128xf32>
    %get3A_27 = arith.constant 0 : index
    %get3A_28 = arith.constant 0 : index
    %get3A_29 = vector.load %arg4[%get3A_27, %get3A_28] : memref<128x128xf32, #tpu.memory_space<vmem>>, vector<128x128xf32>
    %dot_general3A = arith.constant dense<0.000000e+00> : vector<10000x128xf32>
    %dot_general3A_30 = tpu.matmul %max3A_26, %get3A_29, %dot_general3A {dimension_numbers = #tpu.dot_dimension_numbers<[1], [0], [0], [1], [0, 0, 1, 1], [], []>, transpose_lhs_hint = false} : vector<10000x128xf32>, vector<128x128xf32>, vector<10000x128xf32> -> vector<10000x128xf32>
    %mul3A_31 = vector.broadcast %rsqrt3A : vector<10000x1xf32> to vector<10000x128xf32>
    %mul3A_32 = arith.mulf %dot_general3A_30, %mul3A_31 : vector<10000x128xf32>
    %swap3A = arith.constant 0 : index
    %swap3A_33 = arith.constant 0 : index
    %swap3A_34 = vector.load %arg5[%swap3A, %swap3A_33] : memref<10000x128xf32, #tpu.memory_space<vmem>>, vector<10000x128xf32>
    tpu.vector_store %arg5[%swap3A, %swap3A_33], %mul3A_32 {strides = array<i32>} : memref<10000x128xf32, #tpu.memory_space<vmem>>, vector<10000x128xf32>,
    return
  }
}

module attributes {stable_mosaic.version = 14 : i64} {
  func.func @body(%arg0: memref<20480x128xf32, #tpu.memory_space<vmem>>, %arg1: memref<10000x128xf32, #tpu.memory_space<vmem>>, %arg2: memref<20480x128xf32, #tpu.memory_space<vmem>>, %arg3: memref<1x128xf32, #tpu.memory_space<vmem>>, %arg4: memref<10000x128xf32, #tpu.memory_space<vmem>>) attributes {dimension_semantics = [], scalar_prefetch = 0 : i64, scratch_operands = 0 : i64, tpu.core_type = #tpu.core_type<tc>} {
    %get3A = arith.constant 0 : index
    %get3A_0 = arith.constant 0 : index
    %get3A_1 = vector.load %arg2[%get3A, %get3A_0] : memref<20480x128xf32, #tpu.memory_space<vmem>>, vector<10000x1xf32>
    %get3A_2 = arith.constant 10240 : index
    %get3A_3 = arith.constant 0 : index
    %get3A_4 = vector.load %arg2[%get3A_2, %get3A_3] : memref<20480x128xf32, #tpu.memory_space<vmem>>, vector<10000x1xf32>
    %add3A = arith.addf %get3A_1, %get3A_4 : vector<10000x1xf32>
    %add3A_5 = arith.constant 1.000000e+00 : f32
    %add3A_6 = vector.broadcast %add3A_5 : f32 to vector<10000x1xf32>
    %add3A_7 = arith.addf %add3A, %add3A_6 : vector<10000x1xf32>
    %rsqrt3A = math.rsqrt %add3A_7 : vector<10000x1xf32>
    %get3A_8 = arith.constant 0 : index
    %get3A_9 = arith.constant 0 : index
    %get3A_10 = vector.load %arg0[%get3A_8, %get3A_9] : memref<20480x128xf32, #tpu.memory_space<vmem>>, vector<10000x128xf32>
    %get3A_11 = arith.constant 10240 : index
    %get3A_12 = arith.constant 0 : index
    %get3A_13 = vector.load %arg0[%get3A_11, %get3A_12] : memref<20480x128xf32, #tpu.memory_space<vmem>>, vector<10000x128xf32>
    %add3A_14 = arith.addf %get3A_10, %get3A_13 : vector<10000x128xf32>
    %get3A_15 = arith.constant 0 : index
    %get3A_16 = arith.constant 0 : index
    %get3A_17 = vector.load %arg1[%get3A_15, %get3A_16] : memref<10000x128xf32, #tpu.memory_space<vmem>>, vector<10000x128xf32>
    %add3A_18 = arith.addf %add3A_14, %get3A_17 : vector<10000x128xf32>
    %mul3A = vector.broadcast %rsqrt3A : vector<10000x1xf32> to vector<10000x128xf32>
    %mul3A_19 = arith.mulf %add3A_18, %mul3A : vector<10000x128xf32>
    %get3A_20 = arith.constant 0 : index
    %get3A_21 = arith.constant 0 : index
    %get3A_22 = vector.load %arg3[%get3A_20, %get3A_21] : memref<1x128xf32, #tpu.memory_space<vmem>>, vector<1x128xf32>
    %add3A_23 = vector.broadcast %get3A_22 : vector<1x128xf32> to vector<10000x128xf32>
    %add3A_24 = arith.addf %mul3A_19, %add3A_23 : vector<10000x128xf32>
    %reduce_max3A = arith.constant dense<0xFF800000> : vector<10000xf32>
    %reduce_max3A_25 = vector.multi_reduction <maximumf>, %add3A_24, %reduce_max3A [1] : vector<10000x128xf32> to vector<10000xf32>
    %broadcast_in_dim3A = vector.shape_cast %reduce_max3A_25 : vector<10000xf32> to vector<10000x1xf32>
    %sub3A = vector.broadcast %broadcast_in_dim3A : vector<10000x1xf32> to vector<10000x128xf32>
    %sub3A_26 = arith.subf %add3A_24, %sub3A : vector<10000x128xf32>
    %exp3A = math.exp %sub3A_26 : vector<10000x128xf32>
    %sub3A_27 = vector.broadcast %broadcast_in_dim3A : vector<10000x1xf32> to vector<10000x128xf32>
    %sub3A_28 = arith.subf %add3A_24, %sub3A_27 : vector<10000x128xf32>
    %reduce_sum3A = arith.constant dense<0.000000e+00> : vector<10000xf32>
    %reduce_sum3A_29 = vector.multi_reduction <add>, %exp3A, %reduce_sum3A [1] : vector<10000x128xf32> to vector<10000xf32>
    %broadcast_in_dim3A_30 = vector.shape_cast %reduce_sum3A_29 : vector<10000xf32> to vector<10000x1xf32>
    %log3A = math.log %broadcast_in_dim3A_30 : vector<10000x1xf32>
    %sub3A_31 = vector.broadcast %log3A : vector<10000x1xf32> to vector<10000x128xf32>
    %sub3A_32 = arith.subf %sub3A_28, %sub3A_31 : vector<10000x128xf32>
    %swap3A = arith.constant 0 : index
    %swap3A_33 = arith.constant 0 : index
    %swap3A_34 = vector.load %arg4[%swap3A, %swap3A_33] : memref<10000x128xf32, #tpu.memory_space<vmem>>, vector<10000x128xf32>
    tpu.vector_store %arg4[%swap3A, %swap3A_33], %sub3A_32 {strides = array<i32>} : memref<10000x128xf32, #tpu.memory_space<vmem>>, vector<10000x128xf32>,
    return
  }
}

</mosaic_0001>

<sc_bundles>
// kernel: kernel.12.cloned.1.call-start
scs
__scs_entry_jumppad:
0x0: {  	(pc) =	sbr.rel $0x88, $3  }
0x1: {  	(tag) =	ssettag $0x0;
	lr =	simm.s32 $0x1  }
0x2: {  	[smem:$0x3F9A] =	sst lr;
	_ =	strace $0xD0000000  }
0x3: {  	_ = 	snop  }
0x4: {  	_ = 	snop  }
0x5: {  	_ = 	snop  }
0x6: {  	_ = 	snop  }
0x7: {  	_ = 	snop  }
__scs_overlays_trampoline_lowered:
0x8: {  	[smem:$0x3FA9] =	sst s0  }
0x9: {  	[smem:$0x3FAA] =	sst s1  }
0xa: {  	[smem:$0x3FAB] =	sst s2  }
0xb: {  	[smem:$0x3FAC] =	sst s3  }
0xc: {  	[smem:$0x3FAD] =	sst s4  }
0xd: {  	[smem:$0x3FAE] =	sst s5  }
0xe: {  	[smem:$0x3FAF] =	sst s6  }
0xf: {  	[smem:$0x3FB0] =	sst s7  }
0x10: {  	[smem:$0x3FB1] =	sst s8  }
0x11: {  	[smem:$0x3FB2] =	sst s9;
	s0 =	simm.s32 @!p0 $0x0  }
0x12: {  	s1 =	sld [smem:$0x3F98];
	s0 =	simm.s32 @p0 $0x1  }
0x13: {  	[smem:$0x3FB3] =	sst s0;
	s0 =	simm.s32 @!p1 $0x0  }
0x14: {  	s2 =	sld [smem:$0x3F97];
	s0 =	simm.s32 @p1 $0x1  }
0x15: {  	[smem:$0x3FB4] =	sst s0;
	s0 =	simm.s32 @!p2 $0x0  }
0x16: {  	s3 =	sld [smem:$0x3FDB];
	s0 =	simm.s32 @p2 $0x1  }
0x17: {  	s4 =	simm.s32 $0x1BF5;
	[smem:$0x3FB6] =	sst s0  }
0x18: {  	s0 =	sld [smem:$0x3F99];
	_ =	swait.ge [sflag:s4], $0x0  }
0x19: {  	s7 =	sld [smem:$0x3F9A]  }
0x1a: {  	s8 =	sadd.s32 $0xFFFFE003, lr  }
0x1b: {  	s9 =	sadd.s32 $0xFFFFFEF7, lr;
	s5 =	simm.s32 $0xFFFFFFFF;
	p2 =	slt.u32 s8, $0xFFFFF086  }
0x1c: {  	p1 =	slt.u32 s9, $0xF7A;
	s5 =	simm.s32 @!p2 $0x0  }
0x1d: {  	s5 =	simm.s32 @p1 $0x1;
	p0 =	seq.s32 s7, s2  }
0x1e: {  	s7 =	smul.u32 @!p0 $0xF7A, s2;
	p2 =	seq.s32 @!p0 s5, $0x0  }
0x1f: {  	s9 =	smul.u32 $0xF7A, s1;
	s8 =	simm.s32 @!p0 $0x1BF5;
	p2 =	por !p2, p0  }
0x20: {  	[sflag:s8] =	ssyncset.s32 @!p0 $0xFFFFF086;
	s6 =	sadd.s32 @!p0 s3, s7;
	s7 =	simm.s32 @!p0 $0x108  }
0x21: {  	s3 =	sadd.s32 s3, s9;
	s6 =	sadd.s32 @!p0 $0x88, s6;
	s7 =	simm.s32 @p2 $0x1082  }
0x22: {  	[simem:s7], [sflag:s8] =	dma.local @!p0 [hbm:s6], $0xF7A  }
0x23: {  	s9 =	sor.u32 $0xD0000000, s2;
	s6 =	simm.s32 $0x108;
	_ =	swait.ge @!p0 [sflag:s8], $0x0  }
0x24: {  	s3 =	sadd.s32 $0x88, s3;
	s6 =	simm.s32 @!p1 $0x1082;
	[sflag:s4] =	ssyncset.s32 $0xFFFFF086  }
0x25: {  	[simem:s6], [sflag:s4] =	dma.local [hbm:s3], $0xF7A  }
0x26: {  	[smem:$0x3F9A] =	sst s1;
	(tag) =	ssettag s2;
	_ =	strace s9  }
0x27: {  	s1 =	sld [smem:$0x3FAA]  }
0x28: {  	s2 =	sld [smem:$0x3FAB]  }
0x29: {  	s4 =	sld [smem:$0x3FAD]  }
0x2a: {  	p0 =	seq.s32 s5, $0x0;
	s5 =	sld [smem:$0x3FAE]  }
0x2b: {  	s6 =	sld [smem:$0x3FAF]  }
0x2c: {  	s7 =	sld [smem:$0x3FB0]  }
0x2d: {  	s3 =	simm.s32 $0x108;
	s8 =	sld [smem:$0x3FB1]  }
0x2e: {  	s3 =	simm.s32 @!p0 $0x1082;
	s9 =	sld [smem:$0x3FB2]  }
0x2f: {  	lr =	sadd.s32 s0, s3;
	s0 =	sld [smem:$0x3FA9]  }
0x30: {  	s3 =	sld [smem:$0x3FAC]  }
0x31: {  	[smem:$0x3FB5] =	sst s10  }
0x32: {  	s10 =	sld [smem:$0x3FB3];
	_ =	sdelay $0x3  }
0x33: {  	p0 =	seq.s32 s10, $0x1;
	s10 =	sld [smem:$0x3FB5];
	_ =	sdelay $0x3  }
0x34: {  	[smem:$0x3FB5] =	sst s10  }
0x35: {  	s10 =	sld [smem:$0x3FB4];
	_ =	sdelay $0x3  }
0x36: {  	p1 =	seq.s32 s10, $0x1;
	s10 =	sld [smem:$0x3FB5];
	_ =	sdelay $0x3  }
0x37: {  	[smem:$0x3FB5] =	sst s10  }
0x38: {  	s10 =	sld [smem:$0x3FB6]  }
0x39: {  	_ = 	snop;
	(pc) =	sbr.ind lr, $3  }
0x3a: {  	_ = 	snop  }
0x3b: {  	_ = 	snop  }
0x3c: {  	p2 =	seq.s32 s10, $0x1;
	s10 =	sld [smem:$0x3FB5]  }
0x3d: {  	_ =	shalt  }
0x3e: {  	_ =	shalt  }
0x3f: {  	_ =	shalt  }
0x40: {  	_ =	shalt  }
0x41: {  	_ =	shalt  }
0x42: {  	_ =	shalt  }
0x43: {  	_ =	shalt  }
0x44: {  	_ =	shalt  }
0x45: {  	_ =	shalt  }
0x46: {  	_ =	shalt  }
0x47: {  	_ =	shalt  }
0x48: {  	_ =	shalt  }
0x49: {  	_ =	shalt  }
0x4a: {  	_ =	shalt  }
0x4b: {  	_ =	shalt  }
0x4c: {  	_ =	shalt  }
0x4d: {  	_ =	shalt  }
0x4e: {  	_ =	shalt  }
0x4f: {  	_ =	shalt  }
0x50: {  	_ =	shalt  }
0x51: {  	_ =	shalt  }
0x52: {  	_ =	shalt  }
0x53: {  	_ =	shalt  }
0x54: {  	_ =	shalt  }
0x55: {  	_ =	shalt  }
0x56: {  	_ =	shalt  }
0x57: {  	_ =	shalt  }
0x58: {  	_ =	shalt  }
0x59: {  	_ =	shalt  }
0x5a: {  	_ =	shalt  }
0x5b: {  	_ =	shalt  }
0x5c: {  	_ =	shalt  }
0x5d: {  	_ =	shalt  }
0x5e: {  	_ =	shalt  }
0x5f: {  	_ =	shalt  }
0x60: {  	_ =	shalt  }
0x61: {  	_ =	shalt  }
0x62: {  	_ =	shalt  }
0x63: {  	_ =	shalt  }
0x64: {  	_ =	shalt  }
0x65: {  	_ =	shalt  }
0x66: {  	_ =	shalt  }
0x67: {  	_ =	shalt  }
0x68: {  	_ =	shalt  }
0x69: {  	_ =	shalt  }
0x6a: {  	_ =	shalt  }
0x6b: {  	_ =	shalt  }
0x6c: {  	_ =	shalt  }
0x6d: {  	_ =	shalt  }
0x6e: {  	_ =	shalt  }
0x6f: {  	_ =	shalt  }
0x70: {  	_ =	shalt  }
0x71: {  	_ =	shalt  }
0x72: {  	_ =	shalt  }
0x73: {  	_ =	shalt  }
0x74: {  	_ =	shalt  }
0x75: {  	_ =	shalt  }
0x76: {  	_ =	shalt  }
0x77: {  	_ =	shalt  }
0x78: {  	_ =	shalt  }
0x79: {  	_ =	shalt  }
0x7a: {  	_ =	shalt  }
0x7b: {  	_ =	shalt  }
0x7c: {  	_ =	shalt  }
0x7d: {  	_ =	shalt  }
0x7e: {  	_ =	shalt  }
0x7f: {  	_ =	shalt  }
0x80: {  	_ =	shalt  }
0x81: {  	_ =	shalt  }
0x82: {  	_ =	shalt  }
0x83: {  	_ =	shalt  }
0x84: {  	_ =	shalt  }
0x85: {  	_ =	shalt  }
0x86: {  	_ =	shalt  }
0x87: {  	_ =	shalt  }
.Lfunc_end0:
.L_simem_size_0:
called_computation.1_lowered:
.L_overlay_start_0:
0x88: {  	s2 =	sld [smem:$0x3FD9]  }
0x89: {  	s3 =	sld [smem:$0x3FFE];
	_ =	sdelay $0x1  }
0x8a: {  	s1 =	srdreg.scid  }
0x8b: {  	s0 =	sand.u32 $0x1, s1  }
0x8c: {  	s17 =	sshll.u32 s0, $0xA;
	s2 =	sadd.s32 s3, s2  }
0x8d: {  	s2 =	sadd.s32 s2, s17  }
0x8e: {  	[smem:$0x3FC1] =	sst s2  }
0x8f: {  	_ = 	snop  }
0x90: {  	s2 =	sld [smem:$0x3FD0];
	(tm) =	ssettm $0x1  }
0x91: {  	s18 =	sld [smem:$0x3FFB];
	_ =	sdelay $0x3  }
0x92: {  	_ =	strace s18  }
0x93: {  	s3 =	sld [smem:$0x3FFC];
	_ =	sdelay $0x3  }
0x94: {  	_ =	strace s3  }
0x95: {  	s3 =	sld [smem:$0x3FFD];
	_ =	sdelay $0x3  }
0x96: {  	_ =	strace s3  }
0x97: {  	_ =	strace $0x8FFFFFFF  }
0x98: {  	s19 =	sld [smem:$0x3FDB];
	_ =	sdelay $0x1  }
0x99: {  	s4 =	simm.s32 $_scs_section_size  }
0x9a: {  	s5 =	simm.s32 $_size__tile_overlayer_lowered;
	s6 =	simm.s32 $_tile_overlayer_lowered  }
0x9b: {  	s22 =	simm.s32 $0x1BFF;
	s21 =	sshll.u32 s6, $0x1;
	s3 =	sadd.s32 s4, s19  }
0x9c: {  	s7 =	simm.s32 $0x0;
	s20 =	sshll.u32 s5, $0x1;
	s5 =	sadd.s32 s21, s3  }
0x9d: {  	[timem:s7], [sflag:s22] =	dma.local [hbm:s5], s20  }
0x9e: {  	_ =	swait.ge [sflag:s22], s20  }
0x9f: {  	s4 =	ssub.s32 $0x0, s20;
	[sflag:s22] =	ssyncset.done $0x0  }
0xa0: {  	[sflag:s22] =	ssyncadd.s32 s4;
	_ =	sdelay $0x1  }
0xa1: {  	s23 =	simm.s32 $0x1B8B  }
0xa2: {  	_ =	swait.ge [sflag:s23], $0x1  }
0xa3: {  	[sflag:s23] =	ssyncset.done $0x0  }
0xa4: {  	s25 =	simm.s32 $0x1B8E;
	s24 =	sld [smem:$0x3FFE];
	[sflag:s23] =	ssyncadd.s32 $0xFFFFFFFF  }
0xa5: {  	s26 =	simm.s32 $execute0_lowered;
	[smem:$0x3FD2] =	sst s25  }
0xa6: {  	s5 =	sshll.u32 s26, $0x1;
	_ =	strace $0x80000049;
	[dreg:$0x1] =	wrdreg $0xFFFFFFFF  }
0xa7: {  	s28 =	simm.s32 $_size_execute0_lowered;
	s3 =	sadd.s32 s3, s5;
	[dreg:$0x0] =	wrdreg $0x0  }
0xa8: {  	s5 =	sshll.u32 s28, $0x1;
	[dreg:$0x2] =	wrdreg s3  }
0xa9: {  	[dreg:$0x3] =	wrdreg s5  }
0xaa: {  	[dreg:$0x4] =	wrdreg $0xC0  }
0xab: {  	_ =	task [dreg:s7], $0x5FFFF  }
0xac: {  	[dreg:$0x1] =	wrdreg $0xFFFFFFFF  }
0xad: {  	[dreg:$0x0] =	wrdreg $0x60  }
0xae: {  	[dreg:$0x2] =	wrdreg s2  }
0xaf: {  	[dreg:$0x3] =	wrdreg s24  }
0xb0: {  	[dreg:$0x4] =	wrdreg $0x82000  }
0xb1: {  	[dreg:$0x5] =	wrdreg $0x9  }
0xb2: {  	_ =	task.clear_ibuf [dreg:s7], $0x6FFFF;
	_ =	strace $0x90000049  }
0xb3: {  	s29 =	simm.s32 $0x9;
	_ =	strace $0x8000004B  }
0xb4: {  	_ =	swait.ge [sflag:s29], $0x1  }
0xb5: {  	[sflag:s29] =	ssyncadd.s32 $0xFFFFFFFF  }
0xb6: {  	_ =	strace $0x9000004B  }
0xb7: {  	_ =	sfence  }
0xb8: {  	s30 =	sld [smem:$0x0];
	_ =	sdelay $0x2  }
0xb9: {  	s31 =	sshll.u32 s1, $0xD;
	s1 =	sshrl.u32 s1, $0x2  }
0xba: {  	s3 =	sand.u32 $0x4000, s31;
	s1 =	sadd.s32 s1, s30  }
0xbb: {  	s0 =	sor.u32 s3, s0;
	s1 =	sshll.u32 s1, $0x11  }
0xbc: {  	s0 =	sor.u32 s1, s0  }
0xbd: {  	s0 =	sadd.s32 $0x8F2B, s0  }
0xbe: {  	[sflag:s0] =	ssyncadd.remote.s32 $0x1  }
0xbf: {  	_ =	sfence.sel $0xFFFF  }
0xc0: {  	[dreg:$0x0] =	wrdreg $0xFFFFFFFF;
	(pc) =	sbr.abs _section_cstart, $3  }
0xc1: {  	[dreg:$0x1] =	wrdreg $0xFFFFFFFF  }
0xc2: {  	_ =	task.clear_ibuf [dreg:s7], $0x2FFFF;
	_ =	strace $0x9FFFFFFF  }
0xc3: {  	(tm) =	ssettm $0x7FFFFFFF  }
tec
execute0_lowered:
.L_overlay_start_1:
0x0: {  	(tag) =	ssettag $0x1  }
0x1: {  	s1 =	rddreg [dreg:$0x0]  }
0x2: {  	s0 =	rddreg [dreg:$0x1]  }
0x3: {  	s2 =	rddreg [dreg:$0x2]  }
0x4: {  	s3 =	simm.s32 $0x0;
	s16 =	srdreg.scid;
	s13 =	stileid.u32  }
0x5: {  	s28 =	simm.s32 $0x80;
	s29 =	simm.s32 $0x200;
	s30 =	simm.s32 $0x4200  }
0x6: {  	s31 =	simm.s32 $0x1;
	[smem:$0x7FF] =	sst s3;
	s4 =	sadd.s32 $0x5F000, s0  }
0x7: {  	s5 =	sadd.s32 $0x2800, s0;
	s6 =	sadd.s32 $0xC800, s0;
	s9 =	smul.u32 $0x280, s13  }
0x8: {  	s7 =	sshll.u32 s13, $0x1;
	s10 =	smul.u32 $0x50000, s13;
	s0 =	sadd.s32 $0x69000, s0  }
0x9: {  	_ =	strace $0x8000004A;
	[dreg:$0x4] =	wrdreg s6;
	s6 =	sand.u32 $0x1, s16  }
0xa: {  	s18 =	sshll.u32 s13, $0x6;
	s13 =	smul.u32 $0x5000, s13;
	s8 =	ssub.s32 $0x2, s6  }
0xb: {  	s7 =	sor.u32 s6, s7;
	s17 =	sshrl.u32 s10, $0x2;
	s6 =	smul.u32 $0x2800, s6  }
0xc: {  	s11 =	sshrl.u32 s8, $0x1;
	s12 =	smul.u32 $0x2800, s7;
	s7 =	sadd.s32 s17, s2  }
0xd: {  	s22 =	sadd.s32 $0x80, s9;
	s21 =	ssub.s32 s8, s11;
	[dreg:$0x5] =	wrdreg s7  }
0xe: {  	s7 =	sor.u32 $0x1C03, s18;
	s19 =	sadd.s32 s6, s9;
	s23 =	sadd.s32 s6, s22  }
0xf: {  	s22 =	sshll.u32 s22, $0x7;
	s10 =	sshrl.u32 s12, $0x3;
	s11 =	sshll.u32 s19, $0x4  }
0x10: {  	s24 =	sshll.u32 s23, $0x4;
	s23 =	sadd.s32 $0x100, s9;
	s21 =	smax.u32 s21, $0x1  }
0x11: {  	s20 =	sadd.s32 s4, s10;
	s11 =	sadd.s32 s0, s11;
	s25 =	sadd.s32 s6, s23  }
0x12: {  	s23 =	sshll.u32 s23, $0x7;
	[dreg:$0x6] =	wrdreg s11;
	s11 =	sadd.s32 s0, s24  }
0x13: {  	s24 =	sadd.s32 $0x180, s9;
	s9 =	sadd.s32 $0x200, s9;
	[dreg:$0x7] =	wrdreg s11  }
0x14: {  	s11 =	sshll.u32 s25, $0x4;
	s26 =	sadd.s32 s6, s24;
	s14 =	sadd.s32 s6, s9  }
0x15: {  	s6 =	sadd.s32 s6, s13;
	s25 =	sshll.u32 s24, $0x7;
	s11 =	sadd.s32 s0, s11  }
0x16: {  	s12 =	sshll.u32 s26, $0x4;
	s14 =	sshll.u32 s14, $0x4;
	s16 =	sor.u32 $0x180, s6  }
0x17: {  	s15 =	sor.u32 $0x100, s6;
	s18 =	sor.u32 $0x80, s6;
	s19 =	sshrl.u32 s6, $0x3  }
0x18: {  	s26 =	sshll.u32 s9, $0x7;
	[dreg:$0x8] =	wrdreg s11;
	s12 =	sadd.s32 s0, s12  }
0x19: {  	s13 =	sadd.s32 s0, s14;
	s17 =	sshrl.u32 s16, $0x3;
	s15 =	sshrl.u32 s15, $0x3  }
0x1a: {  	s16 =	sadd.s32 $0x10, s20;
	s0 =	sshrl.u32 s18, $0x3;
	s18 =	sadd.s32 s19, s5  }
0x1b: {  	s6 =	sadd.s32 s26, s2;
	s26 =	simm.s32 $0x3;
	[dreg:$0x9] =	wrdreg s12  }
0x1c: {  	s14 =	sadd.s32 s17, s4;
	s15 =	sadd.s32 s15, s4;
	s12 =	smov.u32 s20  }
0x1d: {  	s20 =	sadd.s32 s5, s10;
	s17 =	sadd.s32 s0, s5;
	s0 =	sadd.s32 s22, s2  }
0x1e: {  	s4 =	sadd.s32 s23, s2;
	s5 =	sadd.s32 s25, s2;
	s25 =	sshrl.u32 s6, $0x3  }
0x1f: {  	s6 =	simm.s32 $0x0;
	s19 =	sadd.s32 $0x4E0, s20;
	s20 =	sadd.s32 $0x4F0, s20  }
0x20: {  	s22 =	sshrl.u32 s0, $0x3;
	s23 =	sshrl.u32 s4, $0x3;
	s24 =	sshrl.u32 s5, $0x3  }
0x21: {  	s0 =	simm.s32 $0x100;
	s4 =	simm.s32 $0x2;
	s5 =	simm.s32 $0x180  }
.LBB2_1:
0x22: {  	s8 =	rddreg [dreg:$0x5]  }
0x23: {  	s10 =	rddreg [dreg:$0x4];
	s9 =	sshrl.u32 s8, $0x3  }
0x24: {  	[spmem:s9], [sflag:s7] =	dma.local [hbm:s10], $0x2800  }
0x25: {  	_ =	swait.ge [sflag:s26], $0x2800  }
0x26: {  	[sflag:s26] =	ssyncset.done $0x0  }
0x27: {  	[sflag:s26] =	ssyncadd.s32 $0xFFFFD800  }
0x28: {  	[bflag:$0x0] =	sbarrier.arrive $0xFFFF  }
0x29: {  	[tilespmem:s3], [sflag:$0x3] =	stream.linear.gather [hbm4b:s12+s3], $0x80, $0x38;
	[tilespmem:$0x1C200] =	vst v63  }
0x2a: {  	_ =	swait.ge [sflag:s26], $0x80  }
0x2b: {  	[sflag:s26] =	ssyncset.done $0x0  }
0x2c: {  	[sflag:s26] =	ssyncadd.s32 $0xFFFFFF80  }
0x2d: {  	[tilespmem:s29], [sflag:$0x1] =	stream.indirect.gather [hbm4b:s1+s28], $0x80, s3, s28, $0xb8;
	[tilespmem:$0x1C200] =	vst v63  }
0x2e: {  	_ = 	snop  }
0x2f: {  	[tilespmem:s28], [sflag:$0x3] =	stream.linear.gather [hbm4b:s16+s3], $0x80, $0x38;
	[tilespmem:$0x1C200] =	vst v63  }
0x30: {  	_ =	swait.ge [sflag:s26], $0x80  }
0x31: {  	[sflag:s26] =	ssyncset.done $0x0  }
0x32: {  	[sflag:s26] =	ssyncadd.s32 $0xFFFFFF80  }
0x33: {  	[tilespmem:s30], [sflag:$0x2] =	stream.indirect.gather [hbm4b:s1+s28], $0x80, s28, s28, $0xb8;
	[tilespmem:$0x1C200] =	vst v63  }
0x34: {  	_ =	swait.ge [sflag:s31], $0x4000  }
0x35: {  	[sflag:s31] =	ssyncset.done $0x0  }
0x36: {  	s10 =	sadd.s32 $0x0, s18;
	[sflag:s31] =	ssyncadd.s32 $0xFFFFC000  }
0x37: {  	[tilespmem:s0], [sflag:$0x3] =	stream.linear.gather [hbm4b:s10+s3], $0x80, $0x38;
	[tilespmem:$0x1C200] =	vst v63  }
0x38: {  	_ =	swait.ge [sflag:s26], $0x80  }
0x39: {  	[sflag:s26] =	ssyncset.done $0x0  }
0x3a: {  	[sflag:s26] =	ssyncadd.s32 $0xFFFFFF80  }
0x3b: {  	[spmem:s2] =	stream.indirect.scatter.add.f32 [tilespmem:s29], [sflag:$0x3], $0x80, s0, s28, $0xb8;
	[tilespmem:$0x1C200] =	vst v63  }
0x3c: {  	_ =	swait.ge [sflag:s26], $0x4000  }
0x3d: {  	[sflag:s26] =	ssyncset.done $0x0  }
0x3e: {  	s11 =	sadd.s32 $0x0, s15;
	[sflag:s26] =	ssyncadd.s32 $0xFFFFC000  }
0x3f: {  	[tilespmem:s3], [sflag:$0x3] =	stream.linear.gather [hbm4b:s11+s3], $0x80, $0x38;
	[tilespmem:$0x1C200] =	vst v63  }
0x40: {  	_ =	swait.ge [sflag:s26], $0x80  }
0x41: {  	[sflag:s26] =	ssyncset.done $0x0  }
0x42: {  	[sflag:s26] =	ssyncadd.s32 $0xFFFFFF80  }
0x43: {  	[tilespmem:s29], [sflag:$0x1] =	stream.indirect.gather [hbm4b:s1+s28], $0x80, s3, s28, $0xb8;
	[tilespmem:$0x1C200] =	vst v63  }
0x44: {  	_ =	swait.ge [sflag:s4], $0x4000  }
0x45: {  	[sflag:s4] =	ssyncset.done $0x0  }
0x46: {  	s8 =	sadd.s32 $0x0, s17;
	[sflag:s4] =	ssyncadd.s32 $0xFFFFC000  }
0x47: {  	[tilespmem:s5], [sflag:$0x3] =	stream.linear.gather [hbm4b:s8+s3], $0x80, $0x38;
	[tilespmem:$0x1C200] =	vst v63  }
0x48: {  	_ =	swait.ge [sflag:s26], $0x80  }
0x49: {  	[sflag:s26] =	ssyncset.done $0x0  }
0x4a: {  	[sflag:s26] =	ssyncadd.s32 $0xFFFFFF80  }
0x4b: {  	[spmem:s2] =	stream.indirect.scatter.add.f32 [tilespmem:s30], [sflag:$0x3], $0x80, s5, s28, $0xb8;
	[tilespmem:$0x1C200] =	vst v63  }
0x4c: {  	_ =	swait.ge [sflag:s26], $0x4000  }
0x4d: {  	[sflag:s26] =	ssyncset.done $0x0  }
0x4e: {  	s11 =	sadd.s32 $0x0, s14;
	[sflag:s26] =	ssyncadd.s32 $0xFFFFC000  }
0x4f: {  	[tilespmem:s28], [sflag:$0x3] =	stream.linear.gather [hbm4b:s11+s3], $0x80, $0x38;
	[tilespmem:$0x1C200] =	vst v63  }
0x50: {  	_ =	swait.ge [sflag:s26], $0x80  }
0x51: {  	[sflag:s26] =	ssyncset.done $0x0  }
0x52: {  	s10 =	simm.s32 $0x20;
	[sflag:s26] =	ssyncadd.s32 $0xFFFFFF80  }
.LBB2_2:
0x53: {  	[tilespmem:s30], [sflag:$0x2] =	stream.indirect.gather [hbm4b:s1+s28], $0x80, s28, s28, $0xb8;
	[tilespmem:$0x1C200] =	vst v63  }
0x54: {  	s8 =	smov.u32 s10  }
0x55: {  	p0 =	sne.s32 s10, $0x4C0;
	s10 =	sadd.s32 $0x20, s10;
	_ =	swait.ge [sflag:s31], $0x4000  }
0x56: {  	[sflag:s31] =	ssyncset.done $0x0  }
0x57: {  	s11 =	sadd.s32 s8, s18;
	[sflag:s31] =	ssyncadd.s32 $0xFFFFC000  }
0x58: {  	[tilespmem:s0], [sflag:$0x3] =	stream.linear.gather [hbm4b:s11+s3], $0x80, $0x38;
	[tilespmem:$0x1C200] =	vst v63  }
0x59: {  	_ =	swait.ge [sflag:s26], $0x80  }
0x5a: {  	[sflag:s26] =	ssyncset.done $0x0  }
0x5b: {  	[sflag:s26] =	ssyncadd.s32 $0xFFFFFF80  }
0x5c: {  	[spmem:s2] =	stream.indirect.scatter.add.f32 [tilespmem:s29], [sflag:$0x3], $0x80, s0, s28, $0xb8;
	[tilespmem:$0x1C200] =	vst v63  }
0x5d: {  	_ =	swait.ge [sflag:s26], $0x4000  }
0x5e: {  	[sflag:s26] =	ssyncset.done $0x0  }
0x5f: {  	s11 =	sadd.s32 s8, s15;
	[sflag:s26] =	ssyncadd.s32 $0xFFFFC000  }
0x60: {  	[tilespmem:s3], [sflag:$0x3] =	stream.linear.gather [hbm4b:s11+s3], $0x80, $0x38;
	[tilespmem:$0x1C200] =	vst v63  }
0x61: {  	_ =	swait.ge [sflag:s26], $0x80  }
0x62: {  	[sflag:s26] =	ssyncset.done $0x0  }
0x63: {  	[sflag:s26] =	ssyncadd.s32 $0xFFFFFF80  }
0x64: {  	[tilespmem:s29], [sflag:$0x1] =	stream.indirect.gather [hbm4b:s1+s28], $0x80, s3, s28, $0xb8;
	[tilespmem:$0x1C200] =	vst v63  }
0x65: {  	_ =	swait.ge [sflag:s4], $0x4000  }
0x66: {  	[sflag:s4] =	ssyncset.done $0x0  }
0x67: {  	s11 =	sadd.s32 s8, s17;
	[sflag:s4] =	ssyncadd.s32 $0xFFFFC000  }
0x68: {  	[tilespmem:s5], [sflag:$0x3] =	stream.linear.gather [hbm4b:s11+s3], $0x80, $0x38;
	[tilespmem:$0x1C200] =	vst v63  }
0x69: {  	_ =	swait.ge [sflag:s26], $0x80  }
0x6a: {  	[sflag:s26] =	ssyncset.done $0x0  }
0x6b: {  	[sflag:s26] =	ssyncadd.s32 $0xFFFFFF80  }
0x6c: {  	[spmem:s2] =	stream.indirect.scatter.add.f32 [tilespmem:s30], [sflag:$0x3], $0x80, s5, s28, $0xb8;
	[tilespmem:$0x1C200] =	vst v63  }
0x6d: {  	_ =	swait.ge [sflag:s26], $0x4000  }
0x6e: {  	[sflag:s26] =	ssyncset.done $0x0  }
.Ltmp0:
0x6f: {  	s8 =	sadd.s32 s8, s14;
	[sflag:s26] =	ssyncadd.s32 $0xFFFFC000;
	(pc) =	sbr.rel @p0 .LBB2_2-.Ltmp0, $4  }
0x70: {  	[tilespmem:s28], [sflag:$0x3] =	stream.linear.gather [hbm4b:s8+s3], $0x80, $0x38;
	[tilespmem:$0x1C200] =	vst v63  }
0x71: {  	_ =	swait.ge [sflag:s26], $0x80  }
0x72: {  	[sflag:s26] =	ssyncset.done $0x0  }
0x73: {  	[sflag:s26] =	ssyncadd.s32 $0xFFFFFF80  }
0x74: {  	[tilespmem:s30], [sflag:$0x2] =	stream.indirect.gather [hbm4b:s1+s28], $0x80, s28, s28, $0xb8;
	[tilespmem:$0x1C200] =	vst v63  }
0x75: {  	_ =	swait.ge [sflag:s31], $0x4000  }
0x76: {  	[sflag:s31] =	ssyncset.done $0x0  }
0x77: {  	[sflag:s31] =	ssyncadd.s32 $0xFFFFC000  }
0x78: {  	[tilespmem:s0], [sflag:$0x3] =	stream.linear.gather [hbm4b:s19+s3], $0x80, $0x38;
	[tilespmem:$0x1C200] =	vst v63  }
0x79: {  	_ =	swait.ge [sflag:s26], $0x80  }
0x7a: {  	[sflag:s26] =	ssyncset.done $0x0  }
0x7b: {  	[sflag:s26] =	ssyncadd.s32 $0xFFFFFF80  }
0x7c: {  	[spmem:s2] =	stream.indirect.scatter.add.f32 [tilespmem:s29], [sflag:$0x3], $0x80, s0, s28, $0xb8;
	[tilespmem:$0x1C200] =	vst v63  }
0x7d: {  	_ =	swait.ge [sflag:s26], $0x4000  }
0x7e: {  	[sflag:s26] =	ssyncset.done $0x0  }
0x7f: {  	[sflag:s26] =	ssyncadd.s32 $0xFFFFC000  }
0x80: {  	_ =	swait.ge [sflag:s4], $0x4000  }
0x81: {  	[sflag:s4] =	ssyncset.done $0x0  }
0x82: {  	[sflag:s4] =	ssyncadd.s32 $0xFFFFC000  }
0x83: {  	[tilespmem:s5], [sflag:$0x3] =	stream.linear.gather [hbm4b:s20+s3], $0x80, $0x38;
	[tilespmem:$0x1C200] =	vst v63  }
0x84: {  	_ =	swait.ge [sflag:s26], $0x80  }
0x85: {  	[sflag:s26] =	ssyncset.done $0x0  }
0x86: {  	[sflag:s26] =	ssyncadd.s32 $0xFFFFFF80  }
0x87: {  	[spmem:s2] =	stream.indirect.scatter.add.f32 [tilespmem:s30], [sflag:$0x3], $0x80, s5, s28, $0xb8;
	[tilespmem:$0x1C200] =	vst v63  }
0x88: {  	_ =	swait.ge [sflag:s26], $0x4000  }
0x89: {  	[sflag:s26] =	ssyncset.done $0x0  }
0x8a: {  	[sflag:s26] =	ssyncadd.s32 $0xFFFFC000  }
0x8b: {  	[bflag:$0x0] =	sbarrier.arrive $0xFFFF  }
0x8c: {  	s8 =	rddreg [dreg:$0x6]  }
0x8d: {  	[hbm:s8], [sflag:s7] =	dma.local [spmem:s9], $0x800  }
0x8e: {  	_ =	swait.ge [sflag:s26], $0x800  }
0x8f: {  	[sflag:s26] =	ssyncset.done $0x0  }
0x90: {  	s9 =	rddreg [dreg:$0x7];
	[sflag:s26] =	ssyncadd.s32 $0xFFFFF800  }
0x91: {  	[hbm:s9], [sflag:s7] =	dma.local [spmem:s22], $0x800  }
0x92: {  	_ =	swait.ge [sflag:s26], $0x800  }
0x93: {  	[sflag:s26] =	ssyncset.done $0x0  }
0x94: {  	s10 =	rddreg [dreg:$0x8];
	[sflag:s26] =	ssyncadd.s32 $0xFFFFF800  }
0x95: {  	[hbm:s10], [sflag:s7] =	dma.local [spmem:s23], $0x800  }
0x96: {  	_ =	swait.ge [sflag:s26], $0x800  }
0x97: {  	[sflag:s26] =	ssyncset.done $0x0  }
0x98: {  	s11 =	rddreg [dreg:$0x9];
	[sflag:s26] =	ssyncadd.s32 $0xFFFFF800  }
0x99: {  	[hbm:s11], [sflag:s7] =	dma.local [spmem:s24], $0x800  }
0x9a: {  	s6 =	sadd.s32 $0x1, s6;
	_ =	swait.ge [sflag:s26], $0x800  }
0x9b: {  	p0 =	sne.s32 s6, s21;
	[sflag:s26] =	ssyncset.done $0x0  }
.Ltmp1:
0x9c: {  	[sflag:s26] =	ssyncadd.s32 $0xFFFFF800;
	(pc) =	sbr.rel @p0 .LBB2_1-.Ltmp1, $4  }
0x9d: {  	[hbm:s13], [sflag:s7] =	dma.local [spmem:s25], $0x800  }
0x9e: {  	_ =	swait.ge [sflag:s26], $0x800  }
0x9f: {  	[sflag:s26] =	ssyncset.done $0x0  }
0xa0: {  	[sflag:s26] =	ssyncadd.s32 $0xFFFFF800  }
0xa1: {  	_ =	sfence.sel $0x180000  }
0xa2: {  	[bflag:$0x0] =	sbarrier.arrive $0xFFFF  }
0xa3: {  	_ =	strace $0x9000004A  }
0xa4: {  	s0 =	stileid.u32;
	[bflag:$0x2] =	sbarrier.arrive $0xFFFF  }
0xa5: {  	p0 =	sne.s32 s0, $0x0;
	s0 =	rddreg [dreg:$0x3]  }
0xa6: {  	s0 =	sadd.s32 @!p0 $0x100000, s0  }
0xa7: {  	[sflag:s0] =	ssyncadd.tile.s32 @!p0 $0x1;
	_ =	shalt  }
.Lfunc_end2:
_tile_overlayer_lowered:
.L_overlay_start_2:
0xa8: {  	(tag) =	ssettag $0x2  }
0xa9: {  	s0 =	rddreg [dreg:$0x0];
	s2 =	stileid.u32  }
0xaa: {  	s1 =	rddreg [dreg:$0x1];
	p0 =	sne.s32 s2, $0x0  }
0xab: {  	s3 =	rddreg [dreg:$0x2];
	[bflag:$0x3] =	sbarrier.arrive $0xFFFF;
	s2 =	simm.s32 @!p0 $0x1C03  }
0xac: {  	[timem:s3], [sflag:s2] =	dma.local @!p0 [hbm:s0], s1  }
0xad: {  	s0 =	simm.s32 @!p0 $0x3  }
0xae: {  	_ =	swait.ge @!p0 [sflag:s0], s1  }
0xaf: {  	s1 =	ssub.s32 @!p0 $0x0, s1;
	[sflag:s0] =	ssyncset.done @!p0 $0x0  }
0xb0: {  	[sflag:s0] =	ssyncadd.s32 @!p0 s1  }
0xb1: {  	[bflag:$0x3] =	sbarrier.arrive $0xFFFF  }
0xb2: {  	_ =	shalt  }

// kernel: kernel.15.cloned.1.call-start
scs
__scs_entry_jumppad:
0x0: {  	(pc) =	sbr.rel $0x88, $3  }
0x1: {  	(tag) =	ssettag $0x0;
	lr =	simm.s32 $0x1  }
0x2: {  	[smem:$0x3F9A] =	sst lr;
	_ =	strace $0xD0000000  }
0x3: {  	_ = 	snop  }
0x4: {  	_ = 	snop  }
0x5: {  	_ = 	snop  }
0x6: {  	_ = 	snop  }
0x7: {  	_ = 	snop  }
__scs_overlays_trampoline_lowered:
0x8: {  	[smem:$0x3FA9] =	sst s0  }
0x9: {  	[smem:$0x3FAA] =	sst s1  }
0xa: {  	[smem:$0x3FAB] =	sst s2  }
0xb: {  	[smem:$0x3FAC] =	sst s3  }
0xc: {  	[smem:$0x3FAD] =	sst s4  }
0xd: {  	[smem:$0x3FAE] =	sst s5  }
0xe: {  	[smem:$0x3FAF] =	sst s6  }
0xf: {  	[smem:$0x3FB0] =	sst s7  }
0x10: {  	[smem:$0x3FB1] =	sst s8  }
0x11: {  	[smem:$0x3FB2] =	sst s9;
	s0 =	simm.s32 @!p0 $0x0  }
0x12: {  	s1 =	sld [smem:$0x3F98];
	s0 =	simm.s32 @p0 $0x1  }
0x13: {  	[smem:$0x3FB3] =	sst s0;
	s0 =	simm.s32 @!p1 $0x0  }
0x14: {  	s2 =	sld [smem:$0x3F97];
	s0 =	simm.s32 @p1 $0x1  }
0x15: {  	[smem:$0x3FB4] =	sst s0;
	s0 =	simm.s32 @!p2 $0x0  }
0x16: {  	s3 =	sld [smem:$0x3FDB];
	s0 =	simm.s32 @p2 $0x1  }
0x17: {  	s4 =	simm.s32 $0x1BF5;
	[smem:$0x3FB6] =	sst s0  }
0x18: {  	s0 =	sld [smem:$0x3F99];
	_ =	swait.ge [sflag:s4], $0x0  }
0x19: {  	s7 =	sld [smem:$0x3F9A]  }
0x1a: {  	s8 =	sadd.s32 $0xFFFFE003, lr  }
0x1b: {  	s9 =	sadd.s32 $0xFFFFFEF7, lr;
	s5 =	simm.s32 $0xFFFFFFFF;
	p2 =	slt.u32 s8, $0xFFFFF086  }
0x1c: {  	p1 =	slt.u32 s9, $0xF7A;
	s5 =	simm.s32 @!p2 $0x0  }
0x1d: {  	s5 =	simm.s32 @p1 $0x1;
	p0 =	seq.s32 s7, s2  }
0x1e: {  	s7 =	smul.u32 @!p0 $0xF7A, s2;
	p2 =	seq.s32 @!p0 s5, $0x0  }
0x1f: {  	s9 =	smul.u32 $0xF7A, s1;
	s8 =	simm.s32 @!p0 $0x1BF5;
	p2 =	por !p2, p0  }
0x20: {  	[sflag:s8] =	ssyncset.s32 @!p0 $0xFFFFF086;
	s6 =	sadd.s32 @!p0 s3, s7;
	s7 =	simm.s32 @!p0 $0x108  }
0x21: {  	s3 =	sadd.s32 s3, s9;
	s6 =	sadd.s32 @!p0 $0x88, s6;
	s7 =	simm.s32 @p2 $0x1082  }
0x22: {  	[simem:s7], [sflag:s8] =	dma.local @!p0 [hbm:s6], $0xF7A  }
0x23: {  	s9 =	sor.u32 $0xD0000000, s2;
	s6 =	simm.s32 $0x108;
	_ =	swait.ge @!p0 [sflag:s8], $0x0  }
0x24: {  	s3 =	sadd.s32 $0x88, s3;
	s6 =	simm.s32 @!p1 $0x1082;
	[sflag:s4] =	ssyncset.s32 $0xFFFFF086  }
0x25: {  	[simem:s6], [sflag:s4] =	dma.local [hbm:s3], $0xF7A  }
0x26: {  	[smem:$0x3F9A] =	sst s1;
	(tag) =	ssettag s2;
	_ =	strace s9  }
0x27: {  	s1 =	sld [smem:$0x3FAA]  }
0x28: {  	s2 =	sld [smem:$0x3FAB]  }
0x29: {  	s4 =	sld [smem:$0x3FAD]  }
0x2a: {  	p0 =	seq.s32 s5, $0x0;
	s5 =	sld [smem:$0x3FAE]  }
0x2b: {  	s6 =	sld [smem:$0x3FAF]  }
0x2c: {  	s7 =	sld [smem:$0x3FB0]  }
0x2d: {  	s3 =	simm.s32 $0x108;
	s8 =	sld [smem:$0x3FB1]  }
0x2e: {  	s3 =	simm.s32 @!p0 $0x1082;
	s9 =	sld [smem:$0x3FB2]  }
0x2f: {  	lr =	sadd.s32 s0, s3;
	s0 =	sld [smem:$0x3FA9]  }
0x30: {  	s3 =	sld [smem:$0x3FAC]  }
0x31: {  	[smem:$0x3FB5] =	sst s10  }
0x32: {  	s10 =	sld [smem:$0x3FB3];
	_ =	sdelay $0x3  }
0x33: {  	p0 =	seq.s32 s10, $0x1;
	s10 =	sld [smem:$0x3FB5];
	_ =	sdelay $0x3  }
0x34: {  	[smem:$0x3FB5] =	sst s10  }
0x35: {  	s10 =	sld [smem:$0x3FB4];
	_ =	sdelay $0x3  }
0x36: {  	p1 =	seq.s32 s10, $0x1;
	s10 =	sld [smem:$0x3FB5];
	_ =	sdelay $0x3  }
0x37: {  	[smem:$0x3FB5] =	sst s10  }
0x38: {  	s10 =	sld [smem:$0x3FB6]  }
0x39: {  	_ = 	snop;
	(pc) =	sbr.ind lr, $3  }
0x3a: {  	_ = 	snop  }
0x3b: {  	_ = 	snop  }
0x3c: {  	p2 =	seq.s32 s10, $0x1;
	s10 =	sld [smem:$0x3FB5]  }
0x3d: {  	_ =	shalt  }
0x3e: {  	_ =	shalt  }
0x3f: {  	_ =	shalt  }
0x40: {  	_ =	shalt  }
0x41: {  	_ =	shalt  }
0x42: {  	_ =	shalt  }
0x43: {  	_ =	shalt  }
0x44: {  	_ =	shalt  }
0x45: {  	_ =	shalt  }
0x46: {  	_ =	shalt  }
0x47: {  	_ =	shalt  }
0x48: {  	_ =	shalt  }
0x49: {  	_ =	shalt  }
0x4a: {  	_ =	shalt  }
0x4b: {  	_ =	shalt  }
0x4c: {  	_ =	shalt  }
0x4d: {  	_ =	shalt  }
0x4e: {  	_ =	shalt  }
0x4f: {  	_ =	shalt  }
0x50: {  	_ =	shalt  }
0x51: {  	_ =	shalt  }
0x52: {  	_ =	shalt  }
0x53: {  	_ =	shalt  }
0x54: {  	_ =	shalt  }
0x55: {  	_ =	shalt  }
0x56: {  	_ =	shalt  }
0x57: {  	_ =	shalt  }
0x58: {  	_ =	shalt  }
0x59: {  	_ =	shalt  }
0x5a: {  	_ =	shalt  }
0x5b: {  	_ =	shalt  }
0x5c: {  	_ =	shalt  }
0x5d: {  	_ =	shalt  }
0x5e: {  	_ =	shalt  }
0x5f: {  	_ =	shalt  }
0x60: {  	_ =	shalt  }
0x61: {  	_ =	shalt  }
0x62: {  	_ =	shalt  }
0x63: {  	_ =	shalt  }
0x64: {  	_ =	shalt  }
0x65: {  	_ =	shalt  }
0x66: {  	_ =	shalt  }
0x67: {  	_ =	shalt  }
0x68: {  	_ =	shalt  }
0x69: {  	_ =	shalt  }
0x6a: {  	_ =	shalt  }
0x6b: {  	_ =	shalt  }
0x6c: {  	_ =	shalt  }
0x6d: {  	_ =	shalt  }
0x6e: {  	_ =	shalt  }
0x6f: {  	_ =	shalt  }
0x70: {  	_ =	shalt  }
0x71: {  	_ =	shalt  }
0x72: {  	_ =	shalt  }
0x73: {  	_ =	shalt  }
0x74: {  	_ =	shalt  }
0x75: {  	_ =	shalt  }
0x76: {  	_ =	shalt  }
0x77: {  	_ =	shalt  }
0x78: {  	_ =	shalt  }
0x79: {  	_ =	shalt  }
0x7a: {  	_ =	shalt  }
0x7b: {  	_ =	shalt  }
0x7c: {  	_ =	shalt  }
0x7d: {  	_ =	shalt  }
0x7e: {  	_ =	shalt  }
0x7f: {  	_ =	shalt  }
0x80: {  	_ =	shalt  }
0x81: {  	_ =	shalt  }
0x82: {  	_ =	shalt  }
0x83: {  	_ =	shalt  }
0x84: {  	_ =	shalt  }
0x85: {  	_ =	shalt  }
0x86: {  	_ =	shalt  }
0x87: {  	_ =	shalt  }
.Lfunc_end0:
.L_simem_size_0:
called_computation.2_lowered:
.L_overlay_start_0:
0x88: {  	s2 =	sld [smem:$0x3FD9]  }
0x89: {  	s3 =	sld [smem:$0x3FFE];
	_ =	sdelay $0x1  }
0x8a: {  	s1 =	srdreg.scid  }
0x8b: {  	s0 =	sand.u32 $0x1, s1  }
0x8c: {  	s17 =	sshll.u32 s0, $0xA;
	s2 =	sadd.s32 s3, s2  }
0x8d: {  	s2 =	sadd.s32 s2, s17  }
0x8e: {  	[smem:$0x3FC1] =	sst s2  }
0x8f: {  	_ = 	snop  }
0x90: {  	s2 =	sld [smem:$0x3FD0];
	(tm) =	ssettm $0x1  }
0x91: {  	s18 =	sld [smem:$0x3FFB];
	_ =	sdelay $0x3  }
0x92: {  	_ =	strace s18  }
0x93: {  	s3 =	sld [smem:$0x3FFC];
	_ =	sdelay $0x3  }
0x94: {  	_ =	strace s3  }
0x95: {  	s3 =	sld [smem:$0x3FFD];
	_ =	sdelay $0x3  }
0x96: {  	_ =	strace s3  }
0x97: {  	_ =	strace $0x8FFFFFFF  }
0x98: {  	s19 =	sld [smem:$0x3FDB];
	_ =	sdelay $0x1  }
0x99: {  	s4 =	simm.s32 $_scs_section_size  }
0x9a: {  	s5 =	simm.s32 $_size__tile_overlayer_lowered;
	s6 =	simm.s32 $_tile_overlayer_lowered  }
0x9b: {  	s22 =	simm.s32 $0x1BFF;
	s21 =	sshll.u32 s6, $0x1;
	s3 =	sadd.s32 s4, s19  }
0x9c: {  	s7 =	simm.s32 $0x0;
	s20 =	sshll.u32 s5, $0x1;
	s5 =	sadd.s32 s21, s3  }
0x9d: {  	[timem:s7], [sflag:s22] =	dma.local [hbm:s5], s20  }
0x9e: {  	_ =	swait.ge [sflag:s22], s20  }
0x9f: {  	s4 =	ssub.s32 $0x0, s20;
	[sflag:s22] =	ssyncset.done $0x0  }
0xa0: {  	[sflag:s22] =	ssyncadd.s32 s4;
	_ =	sdelay $0x1  }
0xa1: {  	s23 =	simm.s32 $0x1B8B  }
0xa2: {  	_ =	swait.ge [sflag:s23], $0x1  }
0xa3: {  	[sflag:s23] =	ssyncset.done $0x0  }
0xa4: {  	s25 =	simm.s32 $0x1B8E;
	s24 =	sld [smem:$0x3FFE];
	[sflag:s23] =	ssyncadd.s32 $0xFFFFFFFF  }
0xa5: {  	s26 =	simm.s32 $execute0_lowered;
	[smem:$0x3FD2] =	sst s25  }
0xa6: {  	s5 =	sshll.u32 s26, $0x1;
	_ =	strace $0x8000004C;
	[dreg:$0x1] =	wrdreg $0xFFFFFFFF  }
0xa7: {  	s28 =	simm.s32 $_size_execute0_lowered;
	s3 =	sadd.s32 s3, s5;
	[dreg:$0x0] =	wrdreg $0x0  }
0xa8: {  	s5 =	sshll.u32 s28, $0x1;
	[dreg:$0x2] =	wrdreg s3  }
0xa9: {  	[dreg:$0x3] =	wrdreg s5  }
0xaa: {  	[dreg:$0x4] =	wrdreg $0xC0  }
0xab: {  	_ =	task [dreg:s7], $0x5FFFF  }
0xac: {  	[dreg:$0x1] =	wrdreg $0xFFFFFFFF  }
0xad: {  	[dreg:$0x0] =	wrdreg $0x60  }
0xae: {  	[dreg:$0x2] =	wrdreg s2  }
0xaf: {  	[dreg:$0x3] =	wrdreg s24  }
0xb0: {  	[dreg:$0x4] =	wrdreg $0x82000  }
0xb1: {  	[dreg:$0x5] =	wrdreg $0x9  }
0xb2: {  	_ =	task.clear_ibuf [dreg:s7], $0x6FFFF;
	_ =	strace $0x9000004C  }
0xb3: {  	s29 =	simm.s32 $0x9;
	_ =	strace $0x8000004E  }
0xb4: {  	_ =	swait.ge [sflag:s29], $0x1  }
0xb5: {  	[sflag:s29] =	ssyncadd.s32 $0xFFFFFFFF  }
0xb6: {  	_ =	strace $0x9000004E  }
0xb7: {  	_ =	sfence  }
0xb8: {  	s30 =	sld [smem:$0x0];
	_ =	sdelay $0x2  }
0xb9: {  	s31 =	sshll.u32 s1, $0xD;
	s1 =	sshrl.u32 s1, $0x2  }
0xba: {  	s3 =	sand.u32 $0x4000, s31;
	s1 =	sadd.s32 s1, s30  }
0xbb: {  	s0 =	sor.u32 s3, s0;
	s1 =	sshll.u32 s1, $0x11  }
0xbc: {  	s0 =	sor.u32 s1, s0  }
0xbd: {  	s0 =	sadd.s32 $0x8F2B, s0  }
0xbe: {  	[sflag:s0] =	ssyncadd.remote.s32 $0x1  }
0xbf: {  	_ =	sfence.sel $0xFFFF  }
0xc0: {  	[dreg:$0x0] =	wrdreg $0xFFFFFFFF;
	(pc) =	sbr.abs _section_cstart, $3  }
0xc1: {  	[dreg:$0x1] =	wrdreg $0xFFFFFFFF  }
0xc2: {  	_ =	task.clear_ibuf [dreg:s7], $0x2FFFF;
	_ =	strace $0x9FFFFFFF  }
0xc3: {  	(tm) =	ssettm $0x7FFFFFFF  }
tec
execute0_lowered:
.L_overlay_start_1:
0x0: {  	(tag) =	ssettag $0x1  }
0x1: {  	s1 =	rddreg [dreg:$0x0]  }
0x2: {  	s0 =	rddreg [dreg:$0x1]  }
0x3: {  	s2 =	rddreg [dreg:$0x2]  }
0x4: {  	s3 =	simm.s32 $0x0;
	s16 =	srdreg.scid;
	s13 =	stileid.u32  }
0x5: {  	s28 =	simm.s32 $0x80;
	s29 =	simm.s32 $0x200;
	s30 =	simm.s32 $0x4200  }
0x6: {  	s31 =	simm.s32 $0x1;
	[smem:$0x7FF] =	sst s3;
	s4 =	sadd.s32 $0x5F000, s0  }
0x7: {  	s5 =	sadd.s32 $0x2800, s0;
	s6 =	sadd.s32 $0xC800, s0;
	s9 =	smul.u32 $0x280, s13  }
0x8: {  	s7 =	sshll.u32 s13, $0x1;
	s10 =	smul.u32 $0x50000, s13;
	s0 =	sadd.s32 $0x69000, s0  }
0x9: {  	_ =	strace $0x8000004D;
	[dreg:$0x4] =	wrdreg s6;
	s6 =	sand.u32 $0x1, s16  }
0xa: {  	s18 =	sshll.u32 s13, $0x6;
	s13 =	smul.u32 $0x5000, s13;
	s8 =	ssub.s32 $0x2, s6  }
0xb: {  	s7 =	sor.u32 s6, s7;
	s17 =	sshrl.u32 s10, $0x2;
	s6 =	smul.u32 $0x2800, s6  }
0xc: {  	s11 =	sshrl.u32 s8, $0x1;
	s12 =	smul.u32 $0x2800, s7;
	s7 =	sadd.s32 s17, s2  }
0xd: {  	s22 =	sadd.s32 $0x80, s9;
	s21 =	ssub.s32 s8, s11;
	[dreg:$0x5] =	wrdreg s7  }
0xe: {  	s7 =	sor.u32 $0x1C03, s18;
	s19 =	sadd.s32 s6, s9;
	s23 =	sadd.s32 s6, s22  }
0xf: {  	s22 =	sshll.u32 s22, $0x7;
	s10 =	sshrl.u32 s12, $0x3;
	s11 =	sshll.u32 s19, $0x4  }
0x10: {  	s24 =	sshll.u32 s23, $0x4;
	s23 =	sadd.s32 $0x100, s9;
	s21 =	smax.u32 s21, $0x1  }
0x11: {  	s20 =	sadd.s32 s4, s10;
	s11 =	sadd.s32 s0, s11;
	s25 =	sadd.s32 s6, s23  }
0x12: {  	s23 =	sshll.u32 s23, $0x7;
	[dreg:$0x6] =	wrdreg s11;
	s11 =	sadd.s32 s0, s24  }
0x13: {  	s24 =	sadd.s32 $0x180, s9;
	s9 =	sadd.s32 $0x200, s9;
	[dreg:$0x7] =	wrdreg s11  }
0x14: {  	s11 =	sshll.u32 s25, $0x4;
	s26 =	sadd.s32 s6, s24;
	s14 =	sadd.s32 s6, s9  }
0x15: {  	s6 =	sadd.s32 s6, s13;
	s25 =	sshll.u32 s24, $0x7;
	s11 =	sadd.s32 s0, s11  }
0x16: {  	s12 =	sshll.u32 s26, $0x4;
	s14 =	sshll.u32 s14, $0x4;
	s16 =	sor.u32 $0x180, s6  }
0x17: {  	s15 =	sor.u32 $0x100, s6;
	s18 =	sor.u32 $0x80, s6;
	s19 =	sshrl.u32 s6, $0x3  }
0x18: {  	s26 =	sshll.u32 s9, $0x7;
	[dreg:$0x8] =	wrdreg s11;
	s12 =	sadd.s32 s0, s12  }
0x19: {  	s13 =	sadd.s32 s0, s14;
	s17 =	sshrl.u32 s16, $0x3;
	s15 =	sshrl.u32 s15, $0x3  }
0x1a: {  	s16 =	sadd.s32 $0x10, s20;
	s0 =	sshrl.u32 s18, $0x3;
	s18 =	sadd.s32 s19, s5  }
0x1b: {  	s6 =	sadd.s32 s26, s2;
	s26 =	simm.s32 $0x3;
	[dreg:$0x9] =	wrdreg s12  }
0x1c: {  	s14 =	sadd.s32 s17, s4;
	s15 =	sadd.s32 s15, s4;
	s12 =	smov.u32 s20  }
0x1d: {  	s20 =	sadd.s32 s5, s10;
	s17 =	sadd.s32 s0, s5;
	s0 =	sadd.s32 s22, s2  }
0x1e: {  	s4 =	sadd.s32 s23, s2;
	s5 =	sadd.s32 s25, s2;
	s25 =	sshrl.u32 s6, $0x3  }
0x1f: {  	s6 =	simm.s32 $0x0;
	s19 =	sadd.s32 $0x4E0, s20;
	s20 =	sadd.s32 $0x4F0, s20  }
0x20: {  	s22 =	sshrl.u32 s0, $0x3;
	s23 =	sshrl.u32 s4, $0x3;
	s24 =	sshrl.u32 s5, $0x3  }
0x21: {  	s0 =	simm.s32 $0x100;
	s4 =	simm.s32 $0x2;
	s5 =	simm.s32 $0x180  }
.LBB2_1:
0x22: {  	s8 =	rddreg [dreg:$0x5]  }
0x23: {  	s10 =	rddreg [dreg:$0x4];
	s9 =	sshrl.u32 s8, $0x3  }
0x24: {  	[spmem:s9], [sflag:s7] =	dma.local [hbm:s10], $0x2800  }
0x25: {  	_ =	swait.ge [sflag:s26], $0x2800  }
0x26: {  	[sflag:s26] =	ssyncset.done $0x0  }
0x27: {  	[sflag:s26] =	ssyncadd.s32 $0xFFFFD800  }
0x28: {  	[bflag:$0x0] =	sbarrier.arrive $0xFFFF  }
0x29: {  	[tilespmem:s3], [sflag:$0x3] =	stream.linear.gather [hbm4b:s12+s3], $0x80, $0x38;
	[tilespmem:$0x1C200] =	vst v63  }
0x2a: {  	_ =	swait.ge [sflag:s26], $0x80  }
0x2b: {  	[sflag:s26] =	ssyncset.done $0x0  }
0x2c: {  	[sflag:s26] =	ssyncadd.s32 $0xFFFFFF80  }
0x2d: {  	[tilespmem:s29], [sflag:$0x1] =	stream.indirect.gather [hbm4b:s1+s28], $0x80, s3, s28, $0xb8;
	[tilespmem:$0x1C200] =	vst v63  }
0x2e: {  	_ = 	snop  }
0x2f: {  	[tilespmem:s28], [sflag:$0x3] =	stream.linear.gather [hbm4b:s16+s3], $0x80, $0x38;
	[tilespmem:$0x1C200] =	vst v63  }
0x30: {  	_ =	swait.ge [sflag:s26], $0x80  }
0x31: {  	[sflag:s26] =	ssyncset.done $0x0  }
0x32: {  	[sflag:s26] =	ssyncadd.s32 $0xFFFFFF80  }
0x33: {  	[tilespmem:s30], [sflag:$0x2] =	stream.indirect.gather [hbm4b:s1+s28], $0x80, s28, s28, $0xb8;
	[tilespmem:$0x1C200] =	vst v63  }
0x34: {  	_ =	swait.ge [sflag:s31], $0x4000  }
0x35: {  	[sflag:s31] =	ssyncset.done $0x0  }
0x36: {  	s10 =	sadd.s32 $0x0, s18;
	[sflag:s31] =	ssyncadd.s32 $0xFFFFC000  }
0x37: {  	[tilespmem:s0], [sflag:$0x3] =	stream.linear.gather [hbm4b:s10+s3], $0x80, $0x38;
	[tilespmem:$0x1C200] =	vst v63  }
0x38: {  	_ =	swait.ge [sflag:s26], $0x80  }
0x39: {  	[sflag:s26] =	ssyncset.done $0x0  }
0x3a: {  	[sflag:s26] =	ssyncadd.s32 $0xFFFFFF80  }
0x3b: {  	[spmem:s2] =	stream.indirect.scatter.add.f32 [tilespmem:s29], [sflag:$0x3], $0x80, s0, s28, $0xb8;
	[tilespmem:$0x1C200] =	vst v63  }
0x3c: {  	_ =	swait.ge [sflag:s26], $0x4000  }
0x3d: {  	[sflag:s26] =	ssyncset.done $0x0  }
0x3e: {  	s11 =	sadd.s32 $0x0, s15;
	[sflag:s26] =	ssyncadd.s32 $0xFFFFC000  }
0x3f: {  	[tilespmem:s3], [sflag:$0x3] =	stream.linear.gather [hbm4b:s11+s3], $0x80, $0x38;
	[tilespmem:$0x1C200] =	vst v63  }
0x40: {  	_ =	swait.ge [sflag:s26], $0x80  }
0x41: {  	[sflag:s26] =	ssyncset.done $0x0  }
0x42: {  	[sflag:s26] =	ssyncadd.s32 $0xFFFFFF80  }
0x43: {  	[tilespmem:s29], [sflag:$0x1] =	stream.indirect.gather [hbm4b:s1+s28], $0x80, s3, s28, $0xb8;
	[tilespmem:$0x1C200] =	vst v63  }
0x44: {  	_ =	swait.ge [sflag:s4], $0x4000  }
0x45: {  	[sflag:s4] =	ssyncset.done $0x0  }
0x46: {  	s8 =	sadd.s32 $0x0, s17;
	[sflag:s4] =	ssyncadd.s32 $0xFFFFC000  }
0x47: {  	[tilespmem:s5], [sflag:$0x3] =	stream.linear.gather [hbm4b:s8+s3], $0x80, $0x38;
	[tilespmem:$0x1C200] =	vst v63  }
0x48: {  	_ =	swait.ge [sflag:s26], $0x80  }
0x49: {  	[sflag:s26] =	ssyncset.done $0x0  }
0x4a: {  	[sflag:s26] =	ssyncadd.s32 $0xFFFFFF80  }
0x4b: {  	[spmem:s2] =	stream.indirect.scatter.add.f32 [tilespmem:s30], [sflag:$0x3], $0x80, s5, s28, $0xb8;
	[tilespmem:$0x1C200] =	vst v63  }
0x4c: {  	_ =	swait.ge [sflag:s26], $0x4000  }
0x4d: {  	[sflag:s26] =	ssyncset.done $0x0  }
0x4e: {  	s11 =	sadd.s32 $0x0, s14;
	[sflag:s26] =	ssyncadd.s32 $0xFFFFC000  }
0x4f: {  	[tilespmem:s28], [sflag:$0x3] =	stream.linear.gather [hbm4b:s11+s3], $0x80, $0x38;
	[tilespmem:$0x1C200] =	vst v63  }
0x50: {  	_ =	swait.ge [sflag:s26], $0x80  }
0x51: {  	[sflag:s26] =	ssyncset.done $0x0  }
0x52: {  	s10 =	simm.s32 $0x20;
	[sflag:s26] =	ssyncadd.s32 $0xFFFFFF80  }
.LBB2_2:
0x53: {  	[tilespmem:s30], [sflag:$0x2] =	stream.indirect.gather [hbm4b:s1+s28], $0x80, s28, s28, $0xb8;
	[tilespmem:$0x1C200] =	vst v63  }
0x54: {  	s8 =	smov.u32 s10  }
0x55: {  	p0 =	sne.s32 s10, $0x4C0;
	s10 =	sadd.s32 $0x20, s10;
	_ =	swait.ge [sflag:s31], $0x4000  }
0x56: {  	[sflag:s31] =	ssyncset.done $0x0  }
0x57: {  	s11 =	sadd.s32 s8, s18;
	[sflag:s31] =	ssyncadd.s32 $0xFFFFC000  }
0x58: {  	[tilespmem:s0], [sflag:$0x3] =	stream.linear.gather [hbm4b:s11+s3], $0x80, $0x38;
	[tilespmem:$0x1C200] =	vst v63  }
0x59: {  	_ =	swait.ge [sflag:s26], $0x80  }
0x5a: {  	[sflag:s26] =	ssyncset.done $0x0  }
0x5b: {  	[sflag:s26] =	ssyncadd.s32 $0xFFFFFF80  }
0x5c: {  	[spmem:s2] =	stream.indirect.scatter.add.f32 [tilespmem:s29], [sflag:$0x3], $0x80, s0, s28, $0xb8;
	[tilespmem:$0x1C200] =	vst v63  }
0x5d: {  	_ =	swait.ge [sflag:s26], $0x4000  }
0x5e: {  	[sflag:s26] =	ssyncset.done $0x0  }
0x5f: {  	s11 =	sadd.s32 s8, s15;
	[sflag:s26] =	ssyncadd.s32 $0xFFFFC000  }
0x60: {  	[tilespmem:s3], [sflag:$0x3] =	stream.linear.gather [hbm4b:s11+s3], $0x80, $0x38;
	[tilespmem:$0x1C200] =	vst v63  }
0x61: {  	_ =	swait.ge [sflag:s26], $0x80  }
0x62: {  	[sflag:s26] =	ssyncset.done $0x0  }
0x63: {  	[sflag:s26] =	ssyncadd.s32 $0xFFFFFF80  }
0x64: {  	[tilespmem:s29], [sflag:$0x1] =	stream.indirect.gather [hbm4b:s1+s28], $0x80, s3, s28, $0xb8;
	[tilespmem:$0x1C200] =	vst v63  }
0x65: {  	_ =	swait.ge [sflag:s4], $0x4000  }
0x66: {  	[sflag:s4] =	ssyncset.done $0x0  }
0x67: {  	s11 =	sadd.s32 s8, s17;
	[sflag:s4] =	ssyncadd.s32 $0xFFFFC000  }
0x68: {  	[tilespmem:s5], [sflag:$0x3] =	stream.linear.gather [hbm4b:s11+s3], $0x80, $0x38;
	[tilespmem:$0x1C200] =	vst v63  }
0x69: {  	_ =	swait.ge [sflag:s26], $0x80  }
0x6a: {  	[sflag:s26] =	ssyncset.done $0x0  }
0x6b: {  	[sflag:s26] =	ssyncadd.s32 $0xFFFFFF80  }
0x6c: {  	[spmem:s2] =	stream.indirect.scatter.add.f32 [tilespmem:s30], [sflag:$0x3], $0x80, s5, s28, $0xb8;
	[tilespmem:$0x1C200] =	vst v63  }
0x6d: {  	_ =	swait.ge [sflag:s26], $0x4000  }
0x6e: {  	[sflag:s26] =	ssyncset.done $0x0  }
.Ltmp0:
0x6f: {  	s8 =	sadd.s32 s8, s14;
	[sflag:s26] =	ssyncadd.s32 $0xFFFFC000;
	(pc) =	sbr.rel @p0 .LBB2_2-.Ltmp0, $4  }
0x70: {  	[tilespmem:s28], [sflag:$0x3] =	stream.linear.gather [hbm4b:s8+s3], $0x80, $0x38;
	[tilespmem:$0x1C200] =	vst v63  }
0x71: {  	_ =	swait.ge [sflag:s26], $0x80  }
0x72: {  	[sflag:s26] =	ssyncset.done $0x0  }
0x73: {  	[sflag:s26] =	ssyncadd.s32 $0xFFFFFF80  }
0x74: {  	[tilespmem:s30], [sflag:$0x2] =	stream.indirect.gather [hbm4b:s1+s28], $0x80, s28, s28, $0xb8;
	[tilespmem:$0x1C200] =	vst v63  }
0x75: {  	_ =	swait.ge [sflag:s31], $0x4000  }
0x76: {  	[sflag:s31] =	ssyncset.done $0x0  }
0x77: {  	[sflag:s31] =	ssyncadd.s32 $0xFFFFC000  }
0x78: {  	[tilespmem:s0], [sflag:$0x3] =	stream.linear.gather [hbm4b:s19+s3], $0x80, $0x38;
	[tilespmem:$0x1C200] =	vst v63  }
0x79: {  	_ =	swait.ge [sflag:s26], $0x80  }
0x7a: {  	[sflag:s26] =	ssyncset.done $0x0  }
0x7b: {  	[sflag:s26] =	ssyncadd.s32 $0xFFFFFF80  }
0x7c: {  	[spmem:s2] =	stream.indirect.scatter.add.f32 [tilespmem:s29], [sflag:$0x3], $0x80, s0, s28, $0xb8;
	[tilespmem:$0x1C200] =	vst v63  }
0x7d: {  	_ =	swait.ge [sflag:s26], $0x4000  }
0x7e: {  	[sflag:s26] =	ssyncset.done $0x0  }
0x7f: {  	[sflag:s26] =	ssyncadd.s32 $0xFFFFC000  }
0x80: {  	_ =	swait.ge [sflag:s4], $0x4000  }
0x81: {  	[sflag:s4] =	ssyncset.done $0x0  }
0x82: {  	[sflag:s4] =	ssyncadd.s32 $0xFFFFC000  }
0x83: {  	[tilespmem:s5], [sflag:$0x3] =	stream.linear.gather [hbm4b:s20+s3], $0x80, $0x38;
	[tilespmem:$0x1C200] =	vst v63  }
0x84: {  	_ =	swait.ge [sflag:s26], $0x80  }
0x85: {  	[sflag:s26] =	ssyncset.done $0x0  }
0x86: {  	[sflag:s26] =	ssyncadd.s32 $0xFFFFFF80  }
0x87: {  	[spmem:s2] =	stream.indirect.scatter.add.f32 [tilespmem:s30], [sflag:$0x3], $0x80, s5, s28, $0xb8;
	[tilespmem:$0x1C200] =	vst v63  }
0x88: {  	_ =	swait.ge [sflag:s26], $0x4000  }
0x89: {  	[sflag:s26] =	ssyncset.done $0x0  }
0x8a: {  	[sflag:s26] =	ssyncadd.s32 $0xFFFFC000  }
0x8b: {  	[bflag:$0x0] =	sbarrier.arrive $0xFFFF  }
0x8c: {  	s8 =	rddreg [dreg:$0x6]  }
0x8d: {  	[hbm:s8], [sflag:s7] =	dma.local [spmem:s9], $0x800  }
0x8e: {  	_ =	swait.ge [sflag:s26], $0x800  }
0x8f: {  	[sflag:s26] =	ssyncset.done $0x0  }
0x90: {  	s9 =	rddreg [dreg:$0x7];
	[sflag:s26] =	ssyncadd.s32 $0xFFFFF800  }
0x91: {  	[hbm:s9], [sflag:s7] =	dma.local [spmem:s22], $0x800  }
0x92: {  	_ =	swait.ge [sflag:s26], $0x800  }
0x93: {  	[sflag:s26] =	ssyncset.done $0x0  }
0x94: {  	s10 =	rddreg [dreg:$0x8];
	[sflag:s26] =	ssyncadd.s32 $0xFFFFF800  }
0x95: {  	[hbm:s10], [sflag:s7] =	dma.local [spmem:s23], $0x800  }
0x96: {  	_ =	swait.ge [sflag:s26], $0x800  }
0x97: {  	[sflag:s26] =	ssyncset.done $0x0  }
0x98: {  	s11 =	rddreg [dreg:$0x9];
	[sflag:s26] =	ssyncadd.s32 $0xFFFFF800  }
0x99: {  	[hbm:s11], [sflag:s7] =	dma.local [spmem:s24], $0x800  }
0x9a: {  	s6 =	sadd.s32 $0x1, s6;
	_ =	swait.ge [sflag:s26], $0x800  }
0x9b: {  	p0 =	sne.s32 s6, s21;
	[sflag:s26] =	ssyncset.done $0x0  }
.Ltmp1:
0x9c: {  	[sflag:s26] =	ssyncadd.s32 $0xFFFFF800;
	(pc) =	sbr.rel @p0 .LBB2_1-.Ltmp1, $4  }
0x9d: {  	[hbm:s13], [sflag:s7] =	dma.local [spmem:s25], $0x800  }
0x9e: {  	_ =	swait.ge [sflag:s26], $0x800  }
0x9f: {  	[sflag:s26] =	ssyncset.done $0x0  }
0xa0: {  	[sflag:s26] =	ssyncadd.s32 $0xFFFFF800  }
0xa1: {  	_ =	sfence.sel $0x180000  }
0xa2: {  	[bflag:$0x0] =	sbarrier.arrive $0xFFFF  }
0xa3: {  	_ =	strace $0x9000004D  }
0xa4: {  	s0 =	stileid.u32;
	[bflag:$0x2] =	sbarrier.arrive $0xFFFF  }
0xa5: {  	p0 =	sne.s32 s0, $0x0;
	s0 =	rddreg [dreg:$0x3]  }
0xa6: {  	s0 =	sadd.s32 @!p0 $0x100000, s0  }
0xa7: {  	[sflag:s0] =	ssyncadd.tile.s32 @!p0 $0x1;
	_ =	shalt  }
.Lfunc_end2:
_tile_overlayer_lowered:
.L_overlay_start_2:
0xa8: {  	(tag) =	ssettag $0x2  }
0xa9: {  	s0 =	rddreg [dreg:$0x0];
	s2 =	stileid.u32  }
0xaa: {  	s1 =	rddreg [dreg:$0x1];
	p0 =	sne.s32 s2, $0x0  }
0xab: {  	s3 =	rddreg [dreg:$0x2];
	[bflag:$0x3] =	sbarrier.arrive $0xFFFF;
	s2 =	simm.s32 @!p0 $0x1C03  }
0xac: {  	[timem:s3], [sflag:s2] =	dma.local @!p0 [hbm:s0], s1  }
0xad: {  	s0 =	simm.s32 @!p0 $0x3  }
0xae: {  	_ =	swait.ge @!p0 [sflag:s0], s1  }
0xaf: {  	s1 =	ssub.s32 @!p0 $0x0, s1;
	[sflag:s0] =	ssyncset.done @!p0 $0x0  }
0xb0: {  	[sflag:s0] =	ssyncadd.s32 @!p0 s1  }
0xb1: {  	[bflag:$0x3] =	sbarrier.arrive $0xFFFF  }
0xb2: {  	_ =	shalt  }

// kernel: kernel.9.cloned.1.call-start
scs
__scs_entry_jumppad:
0x0: {  	(pc) =	sbr.rel $0x88, $3  }
0x1: {  	(tag) =	ssettag $0x0;
	lr =	simm.s32 $0x1  }
0x2: {  	[smem:$0x3F9A] =	sst lr;
	_ =	strace $0xD0000000  }
0x3: {  	_ = 	snop  }
0x4: {  	_ = 	snop  }
0x5: {  	_ = 	snop  }
0x6: {  	_ = 	snop  }
0x7: {  	_ = 	snop  }
__scs_overlays_trampoline_lowered:
0x8: {  	[smem:$0x3FA9] =	sst s0  }
0x9: {  	[smem:$0x3FAA] =	sst s1  }
0xa: {  	[smem:$0x3FAB] =	sst s2  }
0xb: {  	[smem:$0x3FAC] =	sst s3  }
0xc: {  	[smem:$0x3FAD] =	sst s4  }
0xd: {  	[smem:$0x3FAE] =	sst s5  }
0xe: {  	[smem:$0x3FAF] =	sst s6  }
0xf: {  	[smem:$0x3FB0] =	sst s7  }
0x10: {  	[smem:$0x3FB1] =	sst s8  }
0x11: {  	[smem:$0x3FB2] =	sst s9;
	s0 =	simm.s32 @!p0 $0x0  }
0x12: {  	s1 =	sld [smem:$0x3F98];
	s0 =	simm.s32 @p0 $0x1  }
0x13: {  	[smem:$0x3FB3] =	sst s0;
	s0 =	simm.s32 @!p1 $0x0  }
0x14: {  	s2 =	sld [smem:$0x3F97];
	s0 =	simm.s32 @p1 $0x1  }
0x15: {  	[smem:$0x3FB4] =	sst s0;
	s0 =	simm.s32 @!p2 $0x0  }
0x16: {  	s3 =	sld [smem:$0x3FDB];
	s0 =	simm.s32 @p2 $0x1  }
0x17: {  	s4 =	simm.s32 $0x1BF5;
	[smem:$0x3FB6] =	sst s0  }
0x18: {  	s0 =	sld [smem:$0x3F99];
	_ =	swait.ge [sflag:s4], $0x0  }
0x19: {  	s7 =	sld [smem:$0x3F9A]  }
0x1a: {  	s8 =	sadd.s32 $0xFFFFE003, lr  }
0x1b: {  	s9 =	sadd.s32 $0xFFFFFEF7, lr;
	s5 =	simm.s32 $0xFFFFFFFF;
	p2 =	slt.u32 s8, $0xFFFFF086  }
0x1c: {  	p1 =	slt.u32 s9, $0xF7A;
	s5 =	simm.s32 @!p2 $0x0  }
0x1d: {  	s5 =	simm.s32 @p1 $0x1;
	p0 =	seq.s32 s7, s2  }
0x1e: {  	s7 =	smul.u32 @!p0 $0xF7A, s2;
	p2 =	seq.s32 @!p0 s5, $0x0  }
0x1f: {  	s9 =	smul.u32 $0xF7A, s1;
	s8 =	simm.s32 @!p0 $0x1BF5;
	p2 =	por !p2, p0  }
0x20: {  	[sflag:s8] =	ssyncset.s32 @!p0 $0xFFFFF086;
	s6 =	sadd.s32 @!p0 s3, s7;
	s7 =	simm.s32 @!p0 $0x108  }
0x21: {  	s3 =	sadd.s32 s3, s9;
	s6 =	sadd.s32 @!p0 $0x88, s6;
	s7 =	simm.s32 @p2 $0x1082  }
0x22: {  	[simem:s7], [sflag:s8] =	dma.local @!p0 [hbm:s6], $0xF7A  }
0x23: {  	s9 =	sor.u32 $0xD0000000, s2;
	s6 =	simm.s32 $0x108;
	_ =	swait.ge @!p0 [sflag:s8], $0x0  }
0x24: {  	s3 =	sadd.s32 $0x88, s3;
	s6 =	simm.s32 @!p1 $0x1082;
	[sflag:s4] =	ssyncset.s32 $0xFFFFF086  }
0x25: {  	[simem:s6], [sflag:s4] =	dma.local [hbm:s3], $0xF7A  }
0x26: {  	[smem:$0x3F9A] =	sst s1;
	(tag) =	ssettag s2;
	_ =	strace s9  }
0x27: {  	s1 =	sld [smem:$0x3FAA]  }
0x28: {  	s2 =	sld [smem:$0x3FAB]  }
0x29: {  	s4 =	sld [smem:$0x3FAD]  }
0x2a: {  	p0 =	seq.s32 s5, $0x0;
	s5 =	sld [smem:$0x3FAE]  }
0x2b: {  	s6 =	sld [smem:$0x3FAF]  }
0x2c: {  	s7 =	sld [smem:$0x3FB0]  }
0x2d: {  	s3 =	simm.s32 $0x108;
	s8 =	sld [smem:$0x3FB1]  }
0x2e: {  	s3 =	simm.s32 @!p0 $0x1082;
	s9 =	sld [smem:$0x3FB2]  }
0x2f: {  	lr =	sadd.s32 s0, s3;
	s0 =	sld [smem:$0x3FA9]  }
0x30: {  	s3 =	sld [smem:$0x3FAC]  }
0x31: {  	[smem:$0x3FB5] =	sst s10  }
0x32: {  	s10 =	sld [smem:$0x3FB3];
	_ =	sdelay $0x3  }
0x33: {  	p0 =	seq.s32 s10, $0x1;
	s10 =	sld [smem:$0x3FB5];
	_ =	sdelay $0x3  }
0x34: {  	[smem:$0x3FB5] =	sst s10  }
0x35: {  	s10 =	sld [smem:$0x3FB4];
	_ =	sdelay $0x3  }
0x36: {  	p1 =	seq.s32 s10, $0x1;
	s10 =	sld [smem:$0x3FB5];
	_ =	sdelay $0x3  }
0x37: {  	[smem:$0x3FB5] =	sst s10  }
0x38: {  	s10 =	sld [smem:$0x3FB6]  }
0x39: {  	_ = 	snop;
	(pc) =	sbr.ind lr, $3  }
0x3a: {  	_ = 	snop  }
0x3b: {  	_ = 	snop  }
0x3c: {  	p2 =	seq.s32 s10, $0x1;
	s10 =	sld [smem:$0x3FB5]  }
0x3d: {  	_ =	shalt  }
0x3e: {  	_ =	shalt  }
0x3f: {  	_ =	shalt  }
0x40: {  	_ =	shalt  }
0x41: {  	_ =	shalt  }
0x42: {  	_ =	shalt  }
0x43: {  	_ =	shalt  }
0x44: {  	_ =	shalt  }
0x45: {  	_ =	shalt  }
0x46: {  	_ =	shalt  }
0x47: {  	_ =	shalt  }
0x48: {  	_ =	shalt  }
0x49: {  	_ =	shalt  }
0x4a: {  	_ =	shalt  }
0x4b: {  	_ =	shalt  }
0x4c: {  	_ =	shalt  }
0x4d: {  	_ =	shalt  }
0x4e: {  	_ =	shalt  }
0x4f: {  	_ =	shalt  }
0x50: {  	_ =	shalt  }
0x51: {  	_ =	shalt  }
0x52: {  	_ =	shalt  }
0x53: {  	_ =	shalt  }
0x54: {  	_ =	shalt  }
0x55: {  	_ =	shalt  }
0x56: {  	_ =	shalt  }
0x57: {  	_ =	shalt  }
0x58: {  	_ =	shalt  }
0x59: {  	_ =	shalt  }
0x5a: {  	_ =	shalt  }
0x5b: {  	_ =	shalt  }
0x5c: {  	_ =	shalt  }
0x5d: {  	_ =	shalt  }
0x5e: {  	_ =	shalt  }
0x5f: {  	_ =	shalt  }
0x60: {  	_ =	shalt  }
0x61: {  	_ =	shalt  }
0x62: {  	_ =	shalt  }
0x63: {  	_ =	shalt  }
0x64: {  	_ =	shalt  }
0x65: {  	_ =	shalt  }
0x66: {  	_ =	shalt  }
0x67: {  	_ =	shalt  }
0x68: {  	_ =	shalt  }
0x69: {  	_ =	shalt  }
0x6a: {  	_ =	shalt  }
0x6b: {  	_ =	shalt  }
0x6c: {  	_ =	shalt  }
0x6d: {  	_ =	shalt  }
0x6e: {  	_ =	shalt  }
0x6f: {  	_ =	shalt  }
0x70: {  	_ =	shalt  }
0x71: {  	_ =	shalt  }
0x72: {  	_ =	shalt  }
0x73: {  	_ =	shalt  }
0x74: {  	_ =	shalt  }
0x75: {  	_ =	shalt  }
0x76: {  	_ =	shalt  }
0x77: {  	_ =	shalt  }
0x78: {  	_ =	shalt  }
0x79: {  	_ =	shalt  }
0x7a: {  	_ =	shalt  }
0x7b: {  	_ =	shalt  }
0x7c: {  	_ =	shalt  }
0x7d: {  	_ =	shalt  }
0x7e: {  	_ =	shalt  }
0x7f: {  	_ =	shalt  }
0x80: {  	_ =	shalt  }
0x81: {  	_ =	shalt  }
0x82: {  	_ =	shalt  }
0x83: {  	_ =	shalt  }
0x84: {  	_ =	shalt  }
0x85: {  	_ =	shalt  }
0x86: {  	_ =	shalt  }
0x87: {  	_ =	shalt  }
.Lfunc_end0:
.L_simem_size_0:
called_computation_lowered:
.L_overlay_start_0:
0x88: {  	s2 =	sld [smem:$0x3FD9]  }
0x89: {  	s3 =	sld [smem:$0x3FFE];
	_ =	sdelay $0x1  }
0x8a: {  	s1 =	srdreg.scid  }
0x8b: {  	s0 =	sand.u32 $0x1, s1  }
0x8c: {  	s17 =	sshll.u32 s0, $0xA;
	s2 =	sadd.s32 s3, s2  }
0x8d: {  	s2 =	sadd.s32 s2, s17  }
0x8e: {  	[smem:$0x3FC1] =	sst s2  }
0x8f: {  	_ = 	snop  }
0x90: {  	s2 =	sld [smem:$0x3FD0];
	(tm) =	ssettm $0x1  }
0x91: {  	s18 =	sld [smem:$0x3FFB];
	_ =	sdelay $0x3  }
0x92: {  	_ =	strace s18  }
0x93: {  	s3 =	sld [smem:$0x3FFC];
	_ =	sdelay $0x3  }
0x94: {  	_ =	strace s3  }
0x95: {  	s3 =	sld [smem:$0x3FFD];
	_ =	sdelay $0x3  }
0x96: {  	_ =	strace s3  }
0x97: {  	_ =	strace $0x8FFFFFFF  }
0x98: {  	s19 =	sld [smem:$0x3FDB];
	_ =	sdelay $0x1  }
0x99: {  	s4 =	simm.s32 $_scs_section_size  }
0x9a: {  	s5 =	simm.s32 $_size__tile_overlayer_lowered;
	s6 =	simm.s32 $_tile_overlayer_lowered  }
0x9b: {  	s22 =	simm.s32 $0x1BFF;
	s21 =	sshll.u32 s6, $0x1;
	s3 =	sadd.s32 s4, s19  }
0x9c: {  	s7 =	simm.s32 $0x0;
	s20 =	sshll.u32 s5, $0x1;
	s5 =	sadd.s32 s21, s3  }
0x9d: {  	[timem:s7], [sflag:s22] =	dma.local [hbm:s5], s20  }
0x9e: {  	_ =	swait.ge [sflag:s22], s20  }
0x9f: {  	s4 =	ssub.s32 $0x0, s20;
	[sflag:s22] =	ssyncset.done $0x0  }
0xa0: {  	[sflag:s22] =	ssyncadd.s32 s4;
	_ =	sdelay $0x1  }
0xa1: {  	s23 =	simm.s32 $0x1B8B  }
0xa2: {  	_ =	swait.ge [sflag:s23], $0x1  }
0xa3: {  	[sflag:s23] =	ssyncset.done $0x0  }
0xa4: {  	s25 =	simm.s32 $0x1B8E;
	s24 =	sld [smem:$0x3FFE];
	[sflag:s23] =	ssyncadd.s32 $0xFFFFFFFF  }
0xa5: {  	s26 =	simm.s32 $execute0_lowered;
	[smem:$0x3FD2] =	sst s25  }
0xa6: {  	s5 =	sshll.u32 s26, $0x1;
	_ =	strace $0x80000046;
	[dreg:$0x1] =	wrdreg $0xFFFFFFFF  }
0xa7: {  	s28 =	simm.s32 $_size_execute0_lowered;
	s3 =	sadd.s32 s3, s5;
	[dreg:$0x0] =	wrdreg $0x0  }
0xa8: {  	s5 =	sshll.u32 s28, $0x1;
	[dreg:$0x2] =	wrdreg s3  }
0xa9: {  	[dreg:$0x3] =	wrdreg s5  }
0xaa: {  	[dreg:$0x4] =	wrdreg $0xC0  }
0xab: {  	_ =	task [dreg:s7], $0x5FFFF  }
0xac: {  	[dreg:$0x1] =	wrdreg $0xFFFFFFFF  }
0xad: {  	[dreg:$0x0] =	wrdreg $0x60  }
0xae: {  	[dreg:$0x2] =	wrdreg s24  }
0xaf: {  	[dreg:$0x3] =	wrdreg s2  }
0xb0: {  	[dreg:$0x4] =	wrdreg $0x40800  }
0xb1: {  	[dreg:$0x5] =	wrdreg $0x9  }
0xb2: {  	_ =	task.clear_ibuf [dreg:s7], $0x6FFFF;
	_ =	strace $0x90000046  }
0xb3: {  	s29 =	simm.s32 $0x9;
	_ =	strace $0x80000048  }
0xb4: {  	_ =	swait.ge [sflag:s29], $0x1  }
0xb5: {  	[sflag:s29] =	ssyncadd.s32 $0xFFFFFFFF  }
0xb6: {  	_ =	strace $0x90000048  }
0xb7: {  	_ =	sfence  }
0xb8: {  	s30 =	sld [smem:$0x0];
	_ =	sdelay $0x2  }
0xb9: {  	s31 =	sshll.u32 s1, $0xD;
	s1 =	sshrl.u32 s1, $0x2  }
0xba: {  	s3 =	sand.u32 $0x4000, s31;
	s1 =	sadd.s32 s1, s30  }
0xbb: {  	s0 =	sor.u32 s3, s0;
	s1 =	sshll.u32 s1, $0x11  }
0xbc: {  	s0 =	sor.u32 s1, s0  }
0xbd: {  	s0 =	sadd.s32 $0x8F2B, s0  }
0xbe: {  	[sflag:s0] =	ssyncadd.remote.s32 $0x1  }
0xbf: {  	_ =	sfence.sel $0xFFFF  }
0xc0: {  	[dreg:$0x0] =	wrdreg $0xFFFFFFFF;
	(pc) =	sbr.abs _section_cstart, $3  }
0xc1: {  	[dreg:$0x1] =	wrdreg $0xFFFFFFFF  }
0xc2: {  	_ =	task.clear_ibuf [dreg:s7], $0x2FFFF;
	_ =	strace $0x9FFFFFFF  }
0xc3: {  	(tm) =	ssettm $0x7FFFFFFF  }
tec
execute0_lowered:
.L_overlay_start_1:
0x0: {  	(tag) =	ssettag $0x1  }
0x1: {  	s6 =	rddreg [dreg:$0x0]  }
0x2: {  	s2 =	rddreg [dreg:$0x1]  }
0x3: {  	s3 =	rddreg [dreg:$0x2]  }
0x4: {  	s0 =	rddreg [dreg:$0x3];
	s1 =	stileid.u32  }
0x5: {  	s4 =	simm.s32 $0x0;
	s7 =	srdreg.scid;
	s5 =	smul.u32 $0xA00, s1  }
0x6: {  	s21 =	simm.s32 $0x0;
	[smem:$0x7FF] =	sst s4;
	s12 =	smul.u32 $0x280, s1  }
0x7: {  	s11 =	sand.u32 $0x1, s7;
	s8 =	smul.u32 $0x50000, s1;
	s15 =	sadd.s32 $0xF000, s6  }
0x8: {  	s31 =	sshll.u32 s1, $0x6;
	_ =	strace $0x80000047;
	s14 =	smul.u32 $0x2800, s11  }
0x9: {  	s7 =	ssub.s32 $0x2, s11;
	s20 =	smul.u32 $0x500, s11;
	s13 =	sadd.s32 s5, s6  }
0xa: {  	s5 =	sadd.s32 $0xC800, s6;
	s22 =	sshrl.u32 s7, $0x1;
	s23 =	sshrl.u32 s8, $0x2  }
0xb: {  	s25 =	sadd.s32 $0x80, s12;
	s28 =	sadd.s32 $0x100, s12;
	s29 =	sadd.s32 $0x180, s12  }
0xc: {  	s9 =	sadd.s32 s14, s12;
	s10 =	ssub.s32 s7, s22;
	s6 =	sadd.s32 s23, s3  }
0xd: {  	s26 =	sshll.u32 s25, $0x7;
	s16 =	sshll.u32 s28, $0x7;
	s19 =	sshll.u32 s29, $0x7  }
0xe: {  	s12 =	sadd.s32 $0x200, s12;
	s13 =	sadd.s32 s20, s13;
	s24 =	sshll.u32 s9, $0x4  }
0xf: {  	s8 =	smax.u32 s10, $0x1;
	s9 =	sadd.s32 s14, s25;
	s17 =	sadd.s32 s26, s3  }
0x10: {  	s10 =	sadd.s32 s14, s28;
	s18 =	sadd.s32 s16, s3;
	s16 =	sadd.s32 s14, s29  }
0x11: {  	s19 =	sadd.s32 s19, s3;
	s14 =	sadd.s32 s14, s12;
	s12 =	sshll.u32 s12, $0x7  }
0x12: {  	s13 =	sadd.s32 $0x2800, s13;
	s7 =	sadd.s32 s15, s24;
	s9 =	sshll.u32 s9, $0x4  }
0x13: {  	s10 =	sshll.u32 s10, $0x4;
	s16 =	sshll.u32 s16, $0x4;
	s14 =	sshll.u32 s14, $0x4  }
0x14: {  	s30 =	sadd.s32 s12, s3;
	s17 =	sshrl.u32 s17, $0x3;
	s18 =	sshrl.u32 s18, $0x3  }
0x15: {  	s19 =	sshrl.u32 s19, $0x3;
	s9 =	sadd.s32 s15, s9;
	s10 =	sadd.s32 s15, s10  }
0x16: {  	s11 =	sadd.s32 s15, s16;
	s12 =	sadd.s32 s15, s14;
	s14 =	simm.s32 $0x80  }
0x17: {  	s15 =	simm.s32 $0x1;
	s16 =	sor.u32 $0x1C01, s31;
	s20 =	sshrl.u32 s30, $0x3  }
.LBB2_1:
0x18: {  	[tilespmem:s14], [sflag:$0x1] =	stream.linear.gather [hbm4b:s2+s4], $0x4000, $0x38;
	[tilespmem:$0x18080] =	vst v63  }
0x19: {  	_ =	swait.ge [sflag:s15], $0x4000  }
0x1a: {  	[sflag:s15] =	ssyncset.done $0x0  }
0x1b: {  	s22 =	sshrl.u32 s6, $0x3;
	[sflag:s15] =	ssyncadd.s32 $0xFFFFC000  }
0x1c: {  	[spmem:s22], [sflag:s16] =	dma.local [hbm:s5], $0x2800  }
0x1d: {  	_ =	swait.ge [sflag:s15], $0x2800  }
0x1e: {  	[sflag:s15] =	ssyncset.done $0x0  }
0x1f: {  	[sflag:s15] =	ssyncadd.s32 $0xFFFFD800  }
0x20: {  	s23 =	sadd.s32 $0x0, s13;
	[bflag:$0x0] =	sbarrier.arrive $0xFFFF  }
0x21: {  	[tilespmem:s4], [sflag:$0x1] =	stream.linear.gather [hbm4b:s23+s4], $0x80, $0x38;
	[tilespmem:$0x18080] =	vst v63  }
0x22: {  	_ =	swait.ge [sflag:s15], $0x80  }
0x23: {  	[sflag:s15] =	ssyncset.done $0x0  }
0x24: {  	[sflag:s15] =	ssyncadd.s32 $0xFFFFFF80  }
0x25: {  	[spmem:s3] =	stream.indirect.scatter.add.f32 [tilespmem:s14], [sflag:$0x1], $0x80, s4, s14, $0xb8;
	[tilespmem:$0x18080] =	vst v63  }
0x26: {  	_ =	swait.ge [sflag:s15], $0x4000  }
0x27: {  	s24 =	simm.s32 $0x20;
	s23 =	simm.s32 $0x10;
	[sflag:s15] =	ssyncset.done $0x0  }
.LBB2_2:
0x28: {  	s25 =	sadd.s32 s23, s13  }
0x29: {  	[sflag:s15] =	ssyncadd.s32 $0xFFFFC000;
	s23 =	smov.u32 s24;
	s26 =	sadd.s32 $0x10, s24  }
0x2a: {  	[tilespmem:s4], [sflag:$0x1] =	stream.linear.gather [hbm4b:s25+s4], $0x80, $0x38;
	[tilespmem:$0x18080] =	vst v63  }
0x2b: {  	p0 =	sne.s32 s24, $0x4F0;
	_ =	swait.ge [sflag:s15], $0x80  }
.Ltmp0:
0x2c: {  	[sflag:s15] =	ssyncset.done $0x0;
	(pc) =	sbr.rel @p0 .LBB2_2-.Ltmp0, $4  }
0x2d: {  	[sflag:s15] =	ssyncadd.s32 $0xFFFFFF80  }
0x2e: {  	[spmem:s3] =	stream.indirect.scatter.add.f32 [tilespmem:s14], [sflag:$0x1], $0x80, s4, s14, $0xb8;
	[tilespmem:$0x18080] =	vst v63  }
0x2f: {  	_ =	swait.ge [sflag:s15], $0x4000  }
0x30: {  	s24 =	smov.u32 s26;
	[sflag:s15] =	ssyncset.done $0x0  }
0x31: {  	s23 =	sadd.s32 s23, s13;
	[sflag:s15] =	ssyncadd.s32 $0xFFFFC000  }
0x32: {  	[tilespmem:s4], [sflag:$0x1] =	stream.linear.gather [hbm4b:s23+s4], $0x80, $0x38;
	[tilespmem:$0x18080] =	vst v63  }
0x33: {  	_ =	swait.ge [sflag:s15], $0x80  }
0x34: {  	[sflag:s15] =	ssyncset.done $0x0  }
0x35: {  	[sflag:s15] =	ssyncadd.s32 $0xFFFFFF80  }
0x36: {  	[spmem:s3] =	stream.indirect.scatter.add.f32 [tilespmem:s14], [sflag:$0x1], $0x80, s4, s14, $0xb8;
	[tilespmem:$0x18080] =	vst v63  }
0x37: {  	_ =	swait.ge [sflag:s15], $0x4000  }
0x38: {  	[sflag:s15] =	ssyncset.done $0x0  }
0x39: {  	[sflag:s15] =	ssyncadd.s32 $0xFFFFC000  }
0x3a: {  	[bflag:$0x0] =	sbarrier.arrive $0xFFFF  }
0x3b: {  	[hbm:s7], [sflag:s16] =	dma.local [spmem:s22], $0x800  }
0x3c: {  	_ =	swait.ge [sflag:s15], $0x800  }
0x3d: {  	[sflag:s15] =	ssyncset.done $0x0  }
0x3e: {  	[sflag:s15] =	ssyncadd.s32 $0xFFFFF800  }
0x3f: {  	[hbm:s9], [sflag:s16] =	dma.local [spmem:s17], $0x800  }
0x40: {  	_ =	swait.ge [sflag:s15], $0x800  }
0x41: {  	[sflag:s15] =	ssyncset.done $0x0  }
0x42: {  	[sflag:s15] =	ssyncadd.s32 $0xFFFFF800  }
0x43: {  	[hbm:s10], [sflag:s16] =	dma.local [spmem:s18], $0x800  }
0x44: {  	_ =	swait.ge [sflag:s15], $0x800  }
0x45: {  	[sflag:s15] =	ssyncset.done $0x0  }
0x46: {  	[sflag:s15] =	ssyncadd.s32 $0xFFFFF800  }
0x47: {  	[hbm:s11], [sflag:s16] =	dma.local [spmem:s19], $0x800  }
0x48: {  	s21 =	sadd.s32 $0x1, s21;
	_ =	swait.ge [sflag:s15], $0x800  }
0x49: {  	p0 =	sne.s32 s21, s8;
	[sflag:s15] =	ssyncset.done $0x0  }
.Ltmp1:
0x4a: {  	[sflag:s15] =	ssyncadd.s32 $0xFFFFF800;
	(pc) =	sbr.rel @p0 .LBB2_1-.Ltmp1, $4  }
0x4b: {  	[hbm:s12], [sflag:s16] =	dma.local [spmem:s20], $0x800  }
0x4c: {  	_ =	swait.ge [sflag:s15], $0x800  }
0x4d: {  	[sflag:s15] =	ssyncset.done $0x0  }
0x4e: {  	[sflag:s15] =	ssyncadd.s32 $0xFFFFF800  }
0x4f: {  	_ =	sfence.sel $0x180000  }
0x50: {  	[bflag:$0x0] =	sbarrier.arrive $0xFFFF  }
0x51: {  	p0 =	sne.s32 s1, $0x0;
	_ =	strace $0x90000047  }
0x52: {  	s0 =	sadd.s32 @!p0 $0x100000, s0;
	[bflag:$0x2] =	sbarrier.arrive $0xFFFF  }
0x53: {  	[sflag:s0] =	ssyncadd.tile.s32 @!p0 $0x1;
	_ =	shalt  }
.Lfunc_end2:
_tile_overlayer_lowered:
.L_overlay_start_2:
0x54: {  	(tag) =	ssettag $0x2  }
0x55: {  	s0 =	rddreg [dreg:$0x0];
	s2 =	stileid.u32  }
0x56: {  	s1 =	rddreg [dreg:$0x1];
	p0 =	sne.s32 s2, $0x0  }
0x57: {  	s3 =	rddreg [dreg:$0x2];
	[bflag:$0x3] =	sbarrier.arrive $0xFFFF;
	s2 =	simm.s32 @!p0 $0x1C01  }
0x58: {  	[timem:s3], [sflag:s2] =	dma.local @!p0 [hbm:s0], s1  }
0x59: {  	s0 =	simm.s32 @!p0 $0x1  }
0x5a: {  	_ =	swait.ge @!p0 [sflag:s0], s1  }
0x5b: {  	s1 =	ssub.s32 @!p0 $0x0, s1;
	[sflag:s0] =	ssyncset.done @!p0 $0x0  }
0x5c: {  	[sflag:s0] =	ssyncadd.s32 @!p0 s1  }
0x5d: {  	[bflag:$0x3] =	sbarrier.arrive $0xFFFF  }
0x5e: {  	_ =	shalt  }

</sc_bundles>
